<compile_context>
chip_gen: v7x
topology: tpu7x:2x2x1
jax: 0.10.2.dev20260603
libtpu: 0.0.44.dev20260713+nightly
codegen_flags: <defaults>
</compile_context>

<pallas_src>
import functools

import jax
import jax.numpy as jnp
from jax import lax
from jax.experimental import pallas as pl
from jax.experimental.pallas import tpu as pltpu
from jax.experimental.pallas import tpu_sc as plsc

N = 10000
E = 320000
D = 128
H = 64
L = 3

NS = 16
NPAD = 10240
RPT = NPAD // NS
EPT = E // NS
B = 80
NCH = EPT // B

RB = 1000
GRID = N // RB




@functools.lru_cache(maxsize=None)
def _sc_kernels():
    mesh = plsc.VectorSubcoreMesh(core_axis_name="c", subcore_axis_name="s")
    f32 = jnp.float32

    def agg_body(hc_hbm, hr_hbm, srcp_hbm, dstp_hbm, srcv_hbm, dstv_hbm,
                 zeros_hbm, aggp_hbm, aggv_hbm, acc, sidx, didx, rows, sem):
        cid = lax.axis_index("c")
        sid = lax.axis_index("s")
        row0 = pl.multiple_of(sid * RPT, 8)
        pltpu.sync_copy(zeros_hbm, acc.at[pl.ds(row0, RPT)])
        plsc.subcore_barrier()

        def edge_loop(src_hbm, dst_hbm, table_hbm):
            def step(k, carry):
                off = pl.multiple_of(sid * EPT + k * B, 8)
                pltpu.sync_copy(src_hbm.at[pl.ds(off, B)], sidx)
                pltpu.sync_copy(dst_hbm.at[pl.ds(off, B)], didx)
                pltpu.async_copy(table_hbm.at[sidx], rows, sem).wait()
                pltpu.sync_copy(rows, acc.at[didx], add=True)
                return carry
            lax.fori_loop(0, NCH, step, 0)

        @pl.when(cid == 0)
        def _():
            edge_loop(srcp_hbm, dstp_hbm, hc_hbm)

        @pl.when(cid == 1)
        def _():
            edge_loop(srcv_hbm, dstv_hbm, hr_hbm)

        plsc.subcore_barrier()

        @pl.when(cid == 0)
        def _():
            pltpu.sync_copy(acc.at[pl.ds(row0, RPT)],
                            aggp_hbm.at[pl.ds(row0, RPT)])

        @pl.when(cid == 1)
        def _():
            pltpu.sync_copy(acc.at[pl.ds(row0, RPT)],
                            aggv_hbm.at[pl.ds(row0, RPT)])

    agg = pl.kernel(
        agg_body,
        mesh=mesh,
        compiler_params=pltpu.CompilerParams(use_tc_tiling_on_sc=False),
        out_type=[jax.ShapeDtypeStruct((NPAD, H), f32),
                  jax.ShapeDtypeStruct((NPAD, H), f32)],
        scratch_types=[
            pltpu.VMEM_SHARED((NPAD, H), f32),
            pltpu.VMEM((B,), jnp.int32),
            pltpu.VMEM((B,), jnp.int32),
            pltpu.VMEM((B, H), f32),
            pltpu.SemaphoreType.DMA,
        ],
    )

    def cnt_body(dstp_hbm, dstv_hbm, zeros_hbm, ones_hbm,
                 cntp_hbm, cntv_hbm, acc, didx, ones_v, sem):
        cid = lax.axis_index("c")
        sid = lax.axis_index("s")
        row0 = pl.multiple_of(sid * RPT, 8)
        pltpu.sync_copy(zeros_hbm, acc.at[pl.ds(row0, RPT)])
        pltpu.sync_copy(ones_hbm, ones_v)
        plsc.subcore_barrier()

        def edge_loop(dst_hbm):
            def step(k, carry):
                off = pl.multiple_of(sid * EPT + k * B, 8)
                pltpu.sync_copy(dst_hbm.at[pl.ds(off, B)], didx)
                pltpu.sync_copy(ones_v, acc.at[didx], add=True)
                return carry
            lax.fori_loop(0, NCH, step, 0)

        @pl.when(cid == 0)
        def _():
            edge_loop(dstp_hbm)

        @pl.when(cid == 1)
        def _():
            edge_loop(dstv_hbm)

        plsc.subcore_barrier()

        @pl.when(cid == 0)
        def _():
            pltpu.sync_copy(acc.at[pl.ds(row0, RPT)],
                            cntp_hbm.at[pl.ds(row0, RPT)])

        @pl.when(cid == 1)
        def _():
            pltpu.sync_copy(acc.at[pl.ds(row0, RPT)],
                            cntv_hbm.at[pl.ds(row0, RPT)])

    cnt = pl.kernel(
        cnt_body,
        mesh=mesh,
        compiler_params=pltpu.CompilerParams(use_tc_tiling_on_sc=False),
        out_type=[jax.ShapeDtypeStruct((NPAD, 16), f32),
                  jax.ShapeDtypeStruct((NPAD, 16), f32)],
        scratch_types=[
            pltpu.VMEM_SHARED((NPAD, 16), f32),
            pltpu.VMEM((B,), jnp.int32),
            pltpu.VMEM((B, 16), f32),
            pltpu.SemaphoreType.DMA,
        ],
    )

    return agg, cnt




def _proj_body(xc, xr, wc, bc, wr, br, hc, hr):
    hc[...] = jnp.maximum(
        jnp.dot(xc[...], wc[...], preferred_element_type=jnp.float32) + bc[...], 0.0)
    hr[...] = jnp.maximum(
        jnp.dot(xr[...], wr[...], preferred_element_type=jnp.float32) + br[...], 0.0)


def _proj(xc, xr, wc, bc, wr, br):
    f32 = jnp.float32
    row = pl.BlockSpec((RB, D), lambda i: (i, 0))
    w = pl.BlockSpec((D, H), lambda i: (0, 0))
    b = pl.BlockSpec((1, H), lambda i: (0, 0))
    out = pl.BlockSpec((RB, H), lambda i: (i, 0))
    return pl.pallas_call(
        _proj_body,
        grid=(GRID,),
        in_specs=[row, row, w, b, w, b],
        out_specs=[out, out],
        out_shape=[jax.ShapeDtypeStruct((N, H), f32),
                   jax.ShapeDtypeStruct((N, H), f32)],
    )(xc, xr, wc, bc.reshape(1, H), wr, br.reshape(1, H))


def _layer_body(hc, hr, aggp, aggv, cntp, cntv,
                wlp, blp, wrp, wlv, blv, wrv, nhc, nhr):
    inv_p = 1.0 / jnp.maximum(cntp[:, 0:1], 1.0)
    inv_v = 1.0 / jnp.maximum(cntv[:, 0:1], 1.0)
    new_r = (jnp.dot(aggp[...] * inv_p, wlp[...], preferred_element_type=jnp.float32)
             + blp[...]
             + jnp.dot(hr[...], wrp[...], preferred_element_type=jnp.float32))
    new_c = (jnp.dot(aggv[...] * inv_v, wlv[...], preferred_element_type=jnp.float32)
             + blv[...]
             + jnp.dot(hc[...], wrv[...], preferred_element_type=jnp.float32))
    nhc[...] = jnp.maximum(new_c, 0.0)
    nhr[...] = jnp.maximum(new_r, 0.0)


def _layer(hc, hr, aggp, aggv, cntp, cntv, wlp, blp, wrp, wlv, blv, wrv):
    f32 = jnp.float32
    row = pl.BlockSpec((RB, H), lambda i: (i, 0))
    cnt = pl.BlockSpec((RB, 16), lambda i: (i, 0))
    w = pl.BlockSpec((H, H), lambda i: (0, 0))
    b = pl.BlockSpec((1, H), lambda i: (0, 0))
    return pl.pallas_call(
        _layer_body,
        grid=(GRID,),
        in_specs=[row, row, row, row, cnt, cnt, w, b, w, w, b, w],
        out_specs=[row, row],
        out_shape=[jax.ShapeDtypeStruct((N, H), f32),
                   jax.ShapeDtypeStruct((N, H), f32)],
    )(hc, hr, aggp, aggv, cntp, cntv,
      wlp, blp.reshape(1, H), wrp, wlv, blv.reshape(1, H), wrv)


def _final_body(hc, aggv, cntv, wlv, blv, wrv, clsw, clsb, out):
    inv_v = 1.0 / jnp.maximum(cntv[:, 0:1], 1.0)
    new_c = (jnp.dot(aggv[...] * inv_v, wlv[...], preferred_element_type=jnp.float32)
             + blv[...]
             + jnp.dot(hc[...], wrv[...], preferred_element_type=jnp.float32))
    h = jnp.maximum(new_c, 0.0)
    out[...] = jnp.dot(h, clsw[...], preferred_element_type=jnp.float32) + clsb[...]


def _final(hc, aggv, cntv, wlv, blv, wrv, clsw_pad, clsb):
    f32 = jnp.float32
    row = pl.BlockSpec((RB, H), lambda i: (i, 0))
    cnt = pl.BlockSpec((RB, 16), lambda i: (i, 0))
    w = pl.BlockSpec((H, H), lambda i: (0, 0))
    b = pl.BlockSpec((1, H), lambda i: (0, 0))
    return pl.pallas_call(
        _final_body,
        grid=(GRID,),
        in_specs=[row, row, cnt, w, b, w,
                  pl.BlockSpec((H, 128), lambda i: (0, 0)),
                  pl.BlockSpec((1, 1), lambda i: (0, 0))],
        out_specs=pl.BlockSpec((RB, 128), lambda i: (i, 0)),
        out_shape=jax.ShapeDtypeStruct((N, 128), f32),
    )(hc, aggv, cntv, wlv, blv.reshape(1, H), wrv, clsw_pad,
      clsb.reshape(1, 1))




def kernel(x_cheval, x_course, ei_participe, ei_rev_participe,
           lin_cheval_W, lin_cheval_b, lin_course_W, lin_course_b,
           Wl_part, bl_part, Wr_part, Wl_rev, bl_rev, Wr_rev,
           cls_W, cls_b):
    f32 = jnp.float32
    agg_k, cnt_k = _sc_kernels()

    src_p, dst_p = ei_participe[0], ei_participe[1]
    src_v, dst_v = ei_rev_participe[0], ei_rev_participe[1]

    zeros64 = jnp.zeros((RPT, H), f32)
    zeros16 = jnp.zeros((RPT, 16), f32)
    ones16 = jnp.ones((B, 16), f32)
    clsw_pad = jnp.pad(cls_W, ((0, 0), (0, 128 - cls_W.shape[1])))

    h_c, h_r = _proj(x_cheval, x_course,
                     lin_cheval_W, lin_cheval_b, lin_course_W, lin_course_b)

    cntp, cntv = cnt_k(dst_p, dst_v, zeros16, ones16)
    cntp, cntv = cntp[:N], cntv[:N]

    out = None
    for l in range(L):
        aggp, aggv = agg_k(h_c, h_r, src_p, dst_p, src_v, dst_v, zeros64)
        aggp, aggv = aggp[:N], aggv[:N]
        if l < L - 1:
            h_c, h_r = _layer(h_c, h_r, aggp, aggv, cntp, cntv,
                              Wl_part[l], bl_part[l], Wr_part[l],
                              Wl_rev[l], bl_rev[l], Wr_rev[l])
        else:
            out = _final(h_c, aggv, cntv,
                         Wl_rev[l], bl_rev[l], Wr_rev[l], clsw_pad, cls_b)
    return out[:, :1]

# --- scband reference (transcript-rebuilt; emitter-appended) ---
"""Pipeline reference for scband-entity-graph-nn-90391881711885 (READ-ONLY COPY).

The authoritative reference and input builder live on the scoring server;
editing this copy changes nothing except your own understanding.
"""

import jax, jax.numpy as jnp
import numpy as np

N_C = 10000  # cheval nodes
N_R = 10000  # course nodes
E = 320000   # edges per relation
D = 128      # input feature dim
H = 64       # hidden_dim
L = 3        # n_layers


def setup_inputs(seed: int = 0) -> dict:
    key = jax.random.key(seed)
    ks = jax.random.split(key, 16)
    s = 0.05
    inp = {}
    inp['x_cheval'] = jax.random.normal(ks[0], (N_C, D), dtype=jnp.float32)
    inp['x_course'] = jax.random.normal(ks[1], (N_R, D), dtype=jnp.float32)
    # row 0 = src indices, row 1 = dst indices
    inp['ei_participe'] = jax.random.randint(ks[2], (2, E), 0, N_C)      # cheval -> course
    inp['ei_rev_participe'] = jax.random.randint(ks[3], (2, E), 0, N_R)  # course -> cheval
    # per-node-type input projections (Linear(-1, hidden))
    inp['lin_cheval_W'] = jax.random.normal(ks[4], (D, H), dtype=jnp.float32) * s
    inp['lin_cheval_b'] = jnp.zeros((H,), dtype=jnp.float32)
    inp['lin_course_W'] = jax.random.normal(ks[5], (D, H), dtype=jnp.float32) * s
    inp['lin_course_b'] = jnp.zeros((H,), dtype=jnp.float32)
    # SAGEConv params per layer per relation, stacked over layers
    inp['Wl_part'] = jax.random.normal(ks[6], (L, H, H), dtype=jnp.float32) * s
    inp['bl_part'] = jnp.zeros((L, H), dtype=jnp.float32)
    inp['Wr_part'] = jax.random.normal(ks[7], (L, H, H), dtype=jnp.float32) * s
    inp['Wl_rev'] = jax.random.normal(ks[8], (L, H, H), dtype=jnp.float32) * s
    inp['bl_rev'] = jnp.zeros((L, H), dtype=jnp.float32)
    inp['Wr_rev'] = jax.random.normal(ks[9], (L, H, H), dtype=jnp.float32) * s
    # final classifier on 'cheval' nodes
    inp['cls_W'] = jax.random.normal(ks[10], (H, 1), dtype=jnp.float32) * s
    inp['cls_b'] = jnp.zeros((1,), dtype=jnp.float32)
    return inp


def _sage(x_src, x_dst, src, dst, Wl, bl, Wr, n_dst):
    # PyG SAGEConv (mean aggr): lin_l(mean_j x_src[j]) + lin_r(x_dst)
    msg = jnp.take(x_src, src, axis=0)
    agg = jax.ops.segment_sum(msg, dst, num_segments=n_dst)
    cnt = jax.ops.segment_sum(jnp.ones((src.shape[0],), dtype=x_src.dtype), dst, num_segments=n_dst)
    agg = agg / jnp.clip(cnt, 1.0)[:, None]
    return agg @ Wl + bl + x_dst @ Wr


def reference(x_cheval, x_course, ei_participe, ei_rev_participe,
              lin_cheval_W, lin_cheval_b, lin_course_W, lin_course_b,
              Wl_part, bl_part, Wr_part, Wl_rev, bl_rev, Wr_rev,
              cls_W, cls_b):
    # eval-mode: dropout is identity
    h_c = jax.nn.relu(x_cheval @ lin_cheval_W + lin_cheval_b)
    h_r = jax.nn.relu(x_course @ lin_course_W + lin_course_b)
    src_p, dst_p = ei_participe[0], ei_participe[1]
    src_v, dst_v = ei_rev_participe[0], ei_rev_participe[1]
    for l in range(L):
        # HeteroConv(aggr='sum'): each dst type receives exactly one relation here
        new_r = _sage(h_c, h_r, src_p, dst_p, Wl_part[l], bl_part[l], Wr_part[l], N_R)
        new_c = _sage(h_r, h_c, src_v, dst_v, Wl_rev[l], bl_rev[l], Wr_rev[l], N_C)
        h_c = jax.nn.relu(new_c)
        h_r = jax.nn.relu(new_r)
    logits = h_c @ cls_W + cls_b
    return logits

if __name__ == "__main__":
    import jax
    _d = setup_inputs()
    print(jax.jit(kernel)(*tuple(_d.values())))

</pallas_src>

<mosaic_0001>
#map = affine_map<(d0, d1) -> (0, 0)>
#map1 = affine_map<(d0, d1) -> (0)>
module attributes {stable_mosaic.version = 14 : i64} {
  func.func @agg_body(%arg0: i32, %arg1: i32, %arg2: memref<10000x64xf32, #tpu.memory_space<hbm>>, %arg3: memref<10000x64xf32, #tpu.memory_space<hbm>>, %arg4: memref<320000xi32, #tpu.memory_space<hbm>>, %arg5: memref<320000xi32, #tpu.memory_space<hbm>>, %arg6: memref<320000xi32, #tpu.memory_space<hbm>>, %arg7: memref<320000xi32, #tpu.memory_space<hbm>>, %arg8: memref<640x64xf32, #tpu.memory_space<hbm>>, %arg9: memref<10240x64xf32, #tpu.memory_space<hbm>>, %arg10: memref<10240x64xf32, #tpu.memory_space<hbm>>, %arg11: memref<10240x64xf32, #tpu.memory_space<vmem_shared>>, %arg12: memref<80xi32, #tpu.memory_space<vmem>>, %arg13: memref<80xi32, #tpu.memory_space<vmem>>, %arg14: memref<80x64xf32, #tpu.memory_space<vmem>>, %arg15: memref<!tpu.dma_semaphore, #tpu.memory_space<semaphore_mem>>) attributes {dimension_semantics = [#tpu.dimension_semantics<core_parallel>, #tpu.dimension_semantics<subcore_parallel>], iteration_bounds = array<i64: 2, 16>, scalar_prefetch = 0 : i64, scratch_operands = 5 : i64, tpu.core_type = #tpu.core_type<sc_vector_subcore>, window_params = [{transform_indices = #map}, {transform_indices = #map}, {transform_indices = #map1}, {transform_indices = #map1}, {transform_indices = #map1}, {transform_indices = #map1}, {transform_indices = #map}, {transform_indices = #map}, {transform_indices = #map}]} {
    %mul3A = arith.constant 640 : i32
    %mul3A_0 = arith.muli %arg1, %mul3A : i32
    %multiple_of3A = tpu.assume_multiple %mul3A_0, 8 : i32
    "tpu.region"() ({
      %run_scoped3A = tpu.sem_alloc : memref<!tpu.dma_semaphore, #tpu.memory_space<semaphore_mem>>
      %dma_start3A = arith.constant 0 : i32
      %dma_start3A_19 = tpu.memref_slice %arg11[%multiple_of3A, %dma_start3A] : memref<10240x64xf32, #tpu.memory_space<vmem_shared>> -> memref<640x64xf32, #tpu.memory_space<vmem_shared>>
      tpu.enqueue_dma source(%arg8 : memref<640x64xf32, #tpu.memory_space<hbm>>) target(%dma_start3A_19 : memref<640x64xf32, #tpu.memory_space<vmem_shared>>) target_semaphore(%run_scoped3A : memref<!tpu.dma_semaphore, #tpu.memory_space<semaphore_mem>>)
      %dma_wait3A = arith.constant 0 : i32
      %dma_wait3A_20 = tpu.memref_slice %arg11[%multiple_of3A, %dma_wait3A] : memref<10240x64xf32, #tpu.memory_space<vmem_shared>> -> memref<640x64xf32, #tpu.memory_space<vmem_shared>>
      tpu.wait_dma2 semaphore(%run_scoped3A : memref<!tpu.dma_semaphore, #tpu.memory_space<semaphore_mem>>) src(%arg8 : memref<640x64xf32, #tpu.memory_space<hbm>>) dst(%dma_wait3A_20 : memref<640x64xf32, #tpu.memory_space<vmem_shared>>)
      tpu.yield
    }) : () -> ()
    %barrier3A = arith.constant 0 : index
    tpu.barrier barrier_id(%barrier3A)
    %eq3A = arith.constant 0 : i32
    %eq3A_1 = arith.cmpi eq, %arg0, %eq3A : i32
    %convert_element_type3A = arith.extui %eq3A_1 : i1 to i32
    %cond3A = arith.constant 0 : i32
    %cond3A_2 = arith.cmpi ne, %convert_element_type3A, %cond3A : i32
    scf.if %cond3A_2 {
      %scan3A = arith.constant 0 : i32
      %scan3A_19 = arith.constant 0 : i32
      %scan3A_20 = arith.constant 250 : i32
      %scan3A_21 = arith.addi %scan3A_19, %scan3A_20 : i32
      %scan3A_22 = arith.constant 1 : i32
      scf.for %scan3A_24 = %scan3A_19 to %scan3A_21 step %scan3A_22  : i32 {
        %mul3A_25 = arith.constant 20000 : i32
        %mul3A_26 = arith.muli %arg1, %mul3A_25 : i32
        %mul3A_27 = arith.constant 80 : i32
        %mul3A_28 = arith.muli %scan3A_24, %mul3A_27 : i32
        %add3A = arith.addi %mul3A_26, %mul3A_28 : i32
        %multiple_of3A_29 = tpu.assume_multiple %add3A, 8 : i32
        "tpu.region"() ({
          %run_scoped3A = tpu.sem_alloc : memref<!tpu.dma_semaphore, #tpu.memory_space<semaphore_mem>>
          %dma_start3A_34 = tpu.memref_slice %arg4[%multiple_of3A_29] : memref<320000xi32, #tpu.memory_space<hbm>> -> memref<80xi32, #tpu.memory_space<hbm>>
          %dma_start3A_35 = tpu.memref_slice %arg4[%multiple_of3A_29] : memref<320000xi32, #tpu.memory_space<hbm>> -> memref<80xi32, #tpu.memory_space<hbm>>
          tpu.enqueue_dma source(%dma_start3A_35 : memref<80xi32, #tpu.memory_space<hbm>>) target(%arg12 : memref<80xi32, #tpu.memory_space<vmem>>) target_semaphore(%run_scoped3A : memref<!tpu.dma_semaphore, #tpu.memory_space<semaphore_mem>>)
          %dma_wait3A_36 = tpu.memref_slice %arg4[%multiple_of3A_29] : memref<320000xi32, #tpu.memory_space<hbm>> -> memref<80xi32, #tpu.memory_space<hbm>>
          %dma_wait3A_37 = tpu.memref_slice %arg4[%multiple_of3A_29] : memref<320000xi32, #tpu.memory_space<hbm>> -> memref<80xi32, #tpu.memory_space<hbm>>
          tpu.wait_dma2 semaphore(%run_scoped3A : memref<!tpu.dma_semaphore, #tpu.memory_space<semaphore_mem>>) src(%dma_wait3A_37 : memref<80xi32, #tpu.memory_space<hbm>>) dst(%arg12 : memref<80xi32, #tpu.memory_space<vmem>>)
          tpu.yield
        }) : () -> ()
        "tpu.region"() ({
          %run_scoped3A = tpu.sem_alloc : memref<!tpu.dma_semaphore, #tpu.memory_space<semaphore_mem>>
          %dma_start3A_34 = tpu.memref_slice %arg5[%multiple_of3A_29] : memref<320000xi32, #tpu.memory_space<hbm>> -> memref<80xi32, #tpu.memory_space<hbm>>
          %dma_start3A_35 = tpu.memref_slice %arg5[%multiple_of3A_29] : memref<320000xi32, #tpu.memory_space<hbm>> -> memref<80xi32, #tpu.memory_space<hbm>>
          tpu.enqueue_dma source(%dma_start3A_35 : memref<80xi32, #tpu.memory_space<hbm>>) target(%arg13 : memref<80xi32, #tpu.memory_space<vmem>>) target_semaphore(%run_scoped3A : memref<!tpu.dma_semaphore, #tpu.memory_space<semaphore_mem>>)
          %dma_wait3A_36 = tpu.memref_slice %arg5[%multiple_of3A_29] : memref<320000xi32, #tpu.memory_space<hbm>> -> memref<80xi32, #tpu.memory_space<hbm>>
          %dma_wait3A_37 = tpu.memref_slice %arg5[%multiple_of3A_29] : memref<320000xi32, #tpu.memory_space<hbm>> -> memref<80xi32, #tpu.memory_space<hbm>>
          tpu.wait_dma2 semaphore(%run_scoped3A : memref<!tpu.dma_semaphore, #tpu.memory_space<semaphore_mem>>) src(%dma_wait3A_37 : memref<80xi32, #tpu.memory_space<hbm>>) dst(%arg13 : memref<80xi32, #tpu.memory_space<vmem>>)
          tpu.yield
        }) : () -> ()
        %dma_start3A = arith.constant 0 : i32
        %dma_start3A_30 = arith.constant 0 : i32
        %dma_start3A_31 = tpu.memref_slice %arg2[%dma_start3A, %dma_start3A_30] : memref<10000x64xf32, #tpu.memory_space<hbm>> -> memref<10000x64xf32, #tpu.memory_space<hbm>>
        tpu.enqueue_indirect_dma source(%dma_start3A_31 : memref<10000x64xf32, #tpu.memory_space<hbm>>) target(%arg14 : memref<80x64xf32, #tpu.memory_space<vmem>>) offsets(%arg12 : memref<80xi32, #tpu.memory_space<vmem>>) semaphore(%arg15 : memref<!tpu.dma_semaphore, #tpu.memory_space<semaphore_mem>>)
        %dma_wait3A = arith.constant 0 : i32
        %dma_wait3A_32 = arith.constant 0 : i32
        %dma_wait3A_33 = tpu.memref_slice %arg2[%dma_wait3A, %dma_wait3A_32] : memref<10000x64xf32, #tpu.memory_space<hbm>> -> memref<10000x64xf32, #tpu.memory_space<hbm>>
        tpu.wait_indirect_dma semaphore(%arg15 : memref<!tpu.dma_semaphore, #tpu.memory_space<semaphore_mem>>) src(%dma_wait3A_33 : memref<10000x64xf32, #tpu.memory_space<hbm>>) dst(%arg14 : memref<80x64xf32, #tpu.memory_space<vmem>>)
        "tpu.region"() ({
          %run_scoped3A = tpu.sem_alloc : memref<!tpu.dma_semaphore, #tpu.memory_space<semaphore_mem>>
          %dma_start3A_34 = arith.constant 0 : i32
          %dma_start3A_35 = arith.constant 0 : i32
          %dma_start3A_36 = tpu.memref_slice %arg11[%dma_start3A_34, %dma_start3A_35] : memref<10240x64xf32, #tpu.memory_space<vmem_shared>> -> memref<10240x64xf32, #tpu.memory_space<vmem_shared>>
          tpu.enqueue_indirect_dma source(%arg14 : memref<80x64xf32, #tpu.memory_space<vmem>>) target(%dma_start3A_36 : memref<10240x64xf32, #tpu.memory_space<vmem_shared>>) offsets(%arg13 : memref<80xi32, #tpu.memory_space<vmem>>) semaphore(%run_scoped3A : memref<!tpu.dma_semaphore, #tpu.memory_space<semaphore_mem>>) {add = true}
          %dma_wait3A_37 = arith.constant 0 : i32
          %dma_wait3A_38 = arith.constant 0 : i32
          %dma_wait3A_39 = tpu.memref_slice %arg11[%dma_wait3A_37, %dma_wait3A_38] : memref<10240x64xf32, #tpu.memory_space<vmem_shared>> -> memref<10240x64xf32, #tpu.memory_space<vmem_shared>>
          tpu.wait_indirect_dma semaphore(%run_scoped3A : memref<!tpu.dma_semaphore, #tpu.memory_space<semaphore_mem>>) src(%arg14 : memref<80x64xf32, #tpu.memory_space<vmem>>) dst(%dma_wait3A_39 : memref<10240x64xf32, #tpu.memory_space<vmem_shared>>)
          tpu.yield
        }) : () -> ()
      }
      %scan3A_23 = arith.constant 250 : i32
    } else {
    }
    %eq3A_3 = arith.constant 1 : i32
    %eq3A_4 = arith.cmpi eq, %arg0, %eq3A_3 : i32
    %convert_element_type3A_5 = arith.extui %eq3A_4 : i1 to i32
    %cond3A_6 = arith.constant 0 : i32
    %cond3A_7 = arith.cmpi ne, %convert_element_type3A_5, %cond3A_6 : i32
    scf.if %cond3A_7 {
      %scan3A = arith.constant 0 : i32
      %scan3A_19 = arith.constant 0 : i32
      %scan3A_20 = arith.constant 250 : i32
      %scan3A_21 = arith.addi %scan3A_19, %scan3A_20 : i32
      %scan3A_22 = arith.constant 1 : i32
      scf.for %scan3A_24 = %scan3A_19 to %scan3A_21 step %scan3A_22  : i32 {
        %mul3A_25 = arith.constant 20000 : i32
        %mul3A_26 = arith.muli %arg1, %mul3A_25 : i32
        %mul3A_27 = arith.constant 80 : i32
        %mul3A_28 = arith.muli %scan3A_24, %mul3A_27 : i32
        %add3A = arith.addi %mul3A_26, %mul3A_28 : i32
        %multiple_of3A_29 = tpu.assume_multiple %add3A, 8 : i32
        "tpu.region"() ({
          %run_scoped3A = tpu.sem_alloc : memref<!tpu.dma_semaphore, #tpu.memory_space<semaphore_mem>>
          %dma_start3A_34 = tpu.memref_slice %arg6[%multiple_of3A_29] : memref<320000xi32, #tpu.memory_space<hbm>> -> memref<80xi32, #tpu.memory_space<hbm>>
          %dma_start3A_35 = tpu.memref_slice %arg6[%multiple_of3A_29] : memref<320000xi32, #tpu.memory_space<hbm>> -> memref<80xi32, #tpu.memory_space<hbm>>
          tpu.enqueue_dma source(%dma_start3A_35 : memref<80xi32, #tpu.memory_space<hbm>>) target(%arg12 : memref<80xi32, #tpu.memory_space<vmem>>) target_semaphore(%run_scoped3A : memref<!tpu.dma_semaphore, #tpu.memory_space<semaphore_mem>>)
          %dma_wait3A_36 = tpu.memref_slice %arg6[%multiple_of3A_29] : memref<320000xi32, #tpu.memory_space<hbm>> -> memref<80xi32, #tpu.memory_space<hbm>>
          %dma_wait3A_37 = tpu.memref_slice %arg6[%multiple_of3A_29] : memref<320000xi32, #tpu.memory_space<hbm>> -> memref<80xi32, #tpu.memory_space<hbm>>
          tpu.wait_dma2 semaphore(%run_scoped3A : memref<!tpu.dma_semaphore, #tpu.memory_space<semaphore_mem>>) src(%dma_wait3A_37 : memref<80xi32, #tpu.memory_space<hbm>>) dst(%arg12 : memref<80xi32, #tpu.memory_space<vmem>>)
          tpu.yield
        }) : () -> ()
        "tpu.region"() ({
          %run_scoped3A = tpu.sem_alloc : memref<!tpu.dma_semaphore, #tpu.memory_space<semaphore_mem>>
          %dma_start3A_34 = tpu.memref_slice %arg7[%multiple_of3A_29] : memref<320000xi32, #tpu.memory_space<hbm>> -> memref<80xi32, #tpu.memory_space<hbm>>
          %dma_start3A_35 = tpu.memref_slice %arg7[%multiple_of3A_29] : memref<320000xi32, #tpu.memory_space<hbm>> -> memref<80xi32, #tpu.memory_space<hbm>>
          tpu.enqueue_dma source(%dma_start3A_35 : memref<80xi32, #tpu.memory_space<hbm>>) target(%arg13 : memref<80xi32, #tpu.memory_space<vmem>>) target_semaphore(%run_scoped3A : memref<!tpu.dma_semaphore, #tpu.memory_space<semaphore_mem>>)
          %dma_wait3A_36 = tpu.memref_slice %arg7[%multiple_of3A_29] : memref<320000xi32, #tpu.memory_space<hbm>> -> memref<80xi32, #tpu.memory_space<hbm>>
          %dma_wait3A_37 = tpu.memref_slice %arg7[%multiple_of3A_29] : memref<320000xi32, #tpu.memory_space<hbm>> -> memref<80xi32, #tpu.memory_space<hbm>>
          tpu.wait_dma2 semaphore(%run_scoped3A : memref<!tpu.dma_semaphore, #tpu.memory_space<semaphore_mem>>) src(%dma_wait3A_37 : memref<80xi32, #tpu.memory_space<hbm>>) dst(%arg13 : memref<80xi32, #tpu.memory_space<vmem>>)
          tpu.yield
        }) : () -> ()
        %dma_start3A = arith.constant 0 : i32
        %dma_start3A_30 = arith.constant 0 : i32
        %dma_start3A_31 = tpu.memref_slice %arg3[%dma_start3A, %dma_start3A_30] : memref<10000x64xf32, #tpu.memory_space<hbm>> -> memref<10000x64xf32, #tpu.memory_space<hbm>>
        tpu.enqueue_indirect_dma source(%dma_start3A_31 : memref<10000x64xf32, #tpu.memory_space<hbm>>) target(%arg14 : memref<80x64xf32, #tpu.memory_space<vmem>>) offsets(%arg12 : memref<80xi32, #tpu.memory_space<vmem>>) semaphore(%arg15 : memref<!tpu.dma_semaphore, #tpu.memory_space<semaphore_mem>>)
        %dma_wait3A = arith.constant 0 : i32
        %dma_wait3A_32 = arith.constant 0 : i32
        %dma_wait3A_33 = tpu.memref_slice %arg3[%dma_wait3A, %dma_wait3A_32] : memref<10000x64xf32, #tpu.memory_space<hbm>> -> memref<10000x64xf32, #tpu.memory_space<hbm>>
        tpu.wait_indirect_dma semaphore(%arg15 : memref<!tpu.dma_semaphore, #tpu.memory_space<semaphore_mem>>) src(%dma_wait3A_33 : memref<10000x64xf32, #tpu.memory_space<hbm>>) dst(%arg14 : memref<80x64xf32, #tpu.memory_space<vmem>>)
        "tpu.region"() ({
          %run_scoped3A = tpu.sem_alloc : memref<!tpu.dma_semaphore, #tpu.memory_space<semaphore_mem>>
          %dma_start3A_34 = arith.constant 0 : i32
          %dma_start3A_35 = arith.constant 0 : i32
          %dma_start3A_36 = tpu.memref_slice %arg11[%dma_start3A_34, %dma_start3A_35] : memref<10240x64xf32, #tpu.memory_space<vmem_shared>> -> memref<10240x64xf32, #tpu.memory_space<vmem_shared>>
          tpu.enqueue_indirect_dma source(%arg14 : memref<80x64xf32, #tpu.memory_space<vmem>>) target(%dma_start3A_36 : memref<10240x64xf32, #tpu.memory_space<vmem_shared>>) offsets(%arg13 : memref<80xi32, #tpu.memory_space<vmem>>) semaphore(%run_scoped3A : memref<!tpu.dma_semaphore, #tpu.memory_space<semaphore_mem>>) {add = true}
          %dma_wait3A_37 = arith.constant 0 : i32
          %dma_wait3A_38 = arith.constant 0 : i32
          %dma_wait3A_39 = tpu.memref_slice %arg11[%dma_wait3A_37, %dma_wait3A_38] : memref<10240x64xf32, #tpu.memory_space<vmem_shared>> -> memref<10240x64xf32, #tpu.memory_space<vmem_shared>>
          tpu.wait_indirect_dma semaphore(%run_scoped3A : memref<!tpu.dma_semaphore, #tpu.memory_space<semaphore_mem>>) src(%arg14 : memref<80x64xf32, #tpu.memory_space<vmem>>) dst(%dma_wait3A_39 : memref<10240x64xf32, #tpu.memory_space<vmem_shared>>)
          tpu.yield
        }) : () -> ()
      }
      %scan3A_23 = arith.constant 250 : i32
    } else {
    }
    %barrier3A_8 = arith.constant 0 : index
    tpu.barrier barrier_id(%barrier3A_8)
    %eq3A_9 = arith.constant 0 : i32
    %eq3A_10 = arith.cmpi eq, %arg0, %eq3A_9 : i32
    %convert_element_type3A_11 = arith.extui %eq3A_10 : i1 to i32
    %cond3A_12 = arith.constant 0 : i32
    %cond3A_13 = arith.cmpi ne, %convert_element_type3A_11, %cond3A_12 : i32
    scf.if %cond3A_13 {
      "tpu.region"() ({
        %run_scoped3A = tpu.sem_alloc : memref<!tpu.dma_semaphore, #tpu.memory_space<semaphore_mem>>
        %dma_start3A = arith.constant 0 : i32
        %dma_start3A_19 = tpu.memref_slice %arg9[%multiple_of3A, %dma_start3A] : memref<10240x64xf32, #tpu.memory_space<hbm>> -> memref<640x64xf32, #tpu.memory_space<hbm>>
        %dma_start3A_20 = arith.constant 0 : i32
        %dma_start3A_21 = tpu.memref_slice %arg11[%multiple_of3A, %dma_start3A_20] : memref<10240x64xf32, #tpu.memory_space<vmem_shared>> -> memref<640x64xf32, #tpu.memory_space<vmem_shared>>
        tpu.enqueue_dma source(%dma_start3A_21 : memref<640x64xf32, #tpu.memory_space<vmem_shared>>) target(%dma_start3A_19 : memref<640x64xf32, #tpu.memory_space<hbm>>) target_semaphore(%run_scoped3A : memref<!tpu.dma_semaphore, #tpu.memory_space<semaphore_mem>>)
        %dma_wait3A = arith.constant 0 : i32
        %dma_wait3A_22 = tpu.memref_slice %arg9[%multiple_of3A, %dma_wait3A] : memref<10240x64xf32, #tpu.memory_space<hbm>> -> memref<640x64xf32, #tpu.memory_space<hbm>>
        %dma_wait3A_23 = arith.constant 0 : i32
        %dma_wait3A_24 = tpu.memref_slice %arg11[%multiple_of3A, %dma_wait3A_23] : memref<10240x64xf32, #tpu.memory_space<vmem_shared>> -> memref<640x64xf32, #tpu.memory_space<vmem_shared>>
        tpu.wait_dma2 semaphore(%run_scoped3A : memref<!tpu.dma_semaphore, #tpu.memory_space<semaphore_mem>>) src(%dma_wait3A_24 : memref<640x64xf32, #tpu.memory_space<vmem_shared>>) dst(%dma_wait3A_22 : memref<640x64xf32, #tpu.memory_space<hbm>>)
        tpu.yield
      }) : () -> ()
    } else {
    }
    %eq3A_14 = arith.constant 1 : i32
    %eq3A_15 = arith.cmpi eq, %arg0, %eq3A_14 : i32
    %convert_element_type3A_16 = arith.extui %eq3A_15 : i1 to i32
    %cond3A_17 = arith.constant 0 : i32
    %cond3A_18 = arith.cmpi ne, %convert_element_type3A_16, %cond3A_17 : i32
    scf.if %cond3A_18 {
      "tpu.region"() ({
        %run_scoped3A = tpu.sem_alloc : memref<!tpu.dma_semaphore, #tpu.memory_space<semaphore_mem>>
        %dma_start3A = arith.constant 0 : i32
        %dma_start3A_19 = tpu.memref_slice %arg10[%multiple_of3A, %dma_start3A] : memref<10240x64xf32, #tpu.memory_space<hbm>> -> memref<640x64xf32, #tpu.memory_space<hbm>>
        %dma_start3A_20 = arith.constant 0 : i32
        %dma_start3A_21 = tpu.memref_slice %arg11[%multiple_of3A, %dma_start3A_20] : memref<10240x64xf32, #tpu.memory_space<vmem_shared>> -> memref<640x64xf32, #tpu.memory_space<vmem_shared>>
        tpu.enqueue_dma source(%dma_start3A_21 : memref<640x64xf32, #tpu.memory_space<vmem_shared>>) target(%dma_start3A_19 : memref<640x64xf32, #tpu.memory_space<hbm>>) target_semaphore(%run_scoped3A : memref<!tpu.dma_semaphore, #tpu.memory_space<semaphore_mem>>)
        %dma_wait3A = arith.constant 0 : i32
        %dma_wait3A_22 = tpu.memref_slice %arg10[%multiple_of3A, %dma_wait3A] : memref<10240x64xf32, #tpu.memory_space<hbm>> -> memref<640x64xf32, #tpu.memory_space<hbm>>
        %dma_wait3A_23 = arith.constant 0 : i32
        %dma_wait3A_24 = tpu.memref_slice %arg11[%multiple_of3A, %dma_wait3A_23] : memref<10240x64xf32, #tpu.memory_space<vmem_shared>> -> memref<640x64xf32, #tpu.memory_space<vmem_shared>>
        tpu.wait_dma2 semaphore(%run_scoped3A : memref<!tpu.dma_semaphore, #tpu.memory_space<semaphore_mem>>) src(%dma_wait3A_24 : memref<640x64xf32, #tpu.memory_space<vmem_shared>>) dst(%dma_wait3A_22 : memref<640x64xf32, #tpu.memory_space<hbm>>)
        tpu.yield
      }) : () -> ()
    } else {
    }
    return
  }
}

#map = affine_map<(d0, d1) -> (0, 0)>
#map1 = affine_map<(d0, d1) -> (0)>
module attributes {stable_mosaic.version = 14 : i64} {
  func.func @agg_body(%arg0: i32, %arg1: i32, %arg2: memref<10000x64xf32, #tpu.memory_space<hbm>>, %arg3: memref<10000x64xf32, #tpu.memory_space<hbm>>, %arg4: memref<320000xi32, #tpu.memory_space<hbm>>, %arg5: memref<320000xi32, #tpu.memory_space<hbm>>, %arg6: memref<320000xi32, #tpu.memory_space<hbm>>, %arg7: memref<320000xi32, #tpu.memory_space<hbm>>, %arg8: memref<640x64xf32, #tpu.memory_space<hbm>>, %arg9: memref<10240x64xf32, #tpu.memory_space<hbm>>, %arg10: memref<10240x64xf32, #tpu.memory_space<hbm>>, %arg11: memref<10240x64xf32, #tpu.memory_space<vmem_shared>>, %arg12: memref<80xi32, #tpu.memory_space<vmem>>, %arg13: memref<80xi32, #tpu.memory_space<vmem>>, %arg14: memref<80x64xf32, #tpu.memory_space<vmem>>, %arg15: memref<!tpu.dma_semaphore, #tpu.memory_space<semaphore_mem>>) attributes {dimension_semantics = [#tpu.dimension_semantics<core_parallel>, #tpu.dimension_semantics<subcore_parallel>], iteration_bounds = array<i64: 2, 16>, scalar_prefetch = 0 : i64, scratch_operands = 5 : i64, tpu.core_type = #tpu.core_type<sc_vector_subcore>, window_params = [{transform_indices = #map}, {transform_indices = #map}, {transform_indices = #map1}, {transform_indices = #map1}, {transform_indices = #map1}, {transform_indices = #map1}, {transform_indices = #map}, {transform_indices = #map}, {transform_indices = #map}]} {
    %mul3A = arith.constant 640 : i32
    %mul3A_0 = arith.muli %arg1, %mul3A : i32
    %multiple_of3A = tpu.assume_multiple %mul3A_0, 8 : i32
    "tpu.region"() ({
      %run_scoped3A = tpu.sem_alloc : memref<!tpu.dma_semaphore, #tpu.memory_space<semaphore_mem>>
      %dma_start3A = arith.constant 0 : i32
      %dma_start3A_19 = tpu.memref_slice %arg11[%multiple_of3A, %dma_start3A] : memref<10240x64xf32, #tpu.memory_space<vmem_shared>> -> memref<640x64xf32, #tpu.memory_space<vmem_shared>>
      tpu.enqueue_dma source(%arg8 : memref<640x64xf32, #tpu.memory_space<hbm>>) target(%dma_start3A_19 : memref<640x64xf32, #tpu.memory_space<vmem_shared>>) target_semaphore(%run_scoped3A : memref<!tpu.dma_semaphore, #tpu.memory_space<semaphore_mem>>)
      %dma_wait3A = arith.constant 0 : i32
      %dma_wait3A_20 = tpu.memref_slice %arg11[%multiple_of3A, %dma_wait3A] : memref<10240x64xf32, #tpu.memory_space<vmem_shared>> -> memref<640x64xf32, #tpu.memory_space<vmem_shared>>
      tpu.wait_dma2 semaphore(%run_scoped3A : memref<!tpu.dma_semaphore, #tpu.memory_space<semaphore_mem>>) src(%arg8 : memref<640x64xf32, #tpu.memory_space<hbm>>) dst(%dma_wait3A_20 : memref<640x64xf32, #tpu.memory_space<vmem_shared>>)
      tpu.yield
    }) : () -> ()
    %barrier3A = arith.constant 0 : index
    tpu.barrier barrier_id(%barrier3A)
    %eq3A = arith.constant 0 : i32
    %eq3A_1 = arith.cmpi eq, %arg0, %eq3A : i32
    %convert_element_type3A = arith.extui %eq3A_1 : i1 to i32
    %cond3A = arith.constant 0 : i32
    %cond3A_2 = arith.cmpi ne, %convert_element_type3A, %cond3A : i32
    scf.if %cond3A_2 {
      %scan3A = arith.constant 0 : i32
      %scan3A_19 = arith.constant 0 : i32
      %scan3A_20 = arith.constant 250 : i32
      %scan3A_21 = arith.addi %scan3A_19, %scan3A_20 : i32
      %scan3A_22 = arith.constant 1 : i32
      scf.for %scan3A_24 = %scan3A_19 to %scan3A_21 step %scan3A_22  : i32 {
        %mul3A_25 = arith.constant 20000 : i32
        %mul3A_26 = arith.muli %arg1, %mul3A_25 : i32
        %mul3A_27 = arith.constant 80 : i32
        %mul3A_28 = arith.muli %scan3A_24, %mul3A_27 : i32
        %add3A = arith.addi %mul3A_26, %mul3A_28 : i32
        %multiple_of3A_29 = tpu.assume_multiple %add3A, 8 : i32
        "tpu.region"() ({
          %run_scoped3A = tpu.sem_alloc : memref<!tpu.dma_semaphore, #tpu.memory_space<semaphore_mem>>
          %dma_start3A_34 = tpu.memref_slice %arg4[%multiple_of3A_29] : memref<320000xi32, #tpu.memory_space<hbm>> -> memref<80xi32, #tpu.memory_space<hbm>>
          %dma_start3A_35 = tpu.memref_slice %arg4[%multiple_of3A_29] : memref<320000xi32, #tpu.memory_space<hbm>> -> memref<80xi32, #tpu.memory_space<hbm>>
          tpu.enqueue_dma source(%dma_start3A_35 : memref<80xi32, #tpu.memory_space<hbm>>) target(%arg12 : memref<80xi32, #tpu.memory_space<vmem>>) target_semaphore(%run_scoped3A : memref<!tpu.dma_semaphore, #tpu.memory_space<semaphore_mem>>)
          %dma_wait3A_36 = tpu.memref_slice %arg4[%multiple_of3A_29] : memref<320000xi32, #tpu.memory_space<hbm>> -> memref<80xi32, #tpu.memory_space<hbm>>
          %dma_wait3A_37 = tpu.memref_slice %arg4[%multiple_of3A_29] : memref<320000xi32, #tpu.memory_space<hbm>> -> memref<80xi32, #tpu.memory_space<hbm>>
          tpu.wait_dma2 semaphore(%run_scoped3A : memref<!tpu.dma_semaphore, #tpu.memory_space<semaphore_mem>>) src(%dma_wait3A_37 : memref<80xi32, #tpu.memory_space<hbm>>) dst(%arg12 : memref<80xi32, #tpu.memory_space<vmem>>)
          tpu.yield
        }) : () -> ()
        "tpu.region"() ({
          %run_scoped3A = tpu.sem_alloc : memref<!tpu.dma_semaphore, #tpu.memory_space<semaphore_mem>>
          %dma_start3A_34 = tpu.memref_slice %arg5[%multiple_of3A_29] : memref<320000xi32, #tpu.memory_space<hbm>> -> memref<80xi32, #tpu.memory_space<hbm>>
          %dma_start3A_35 = tpu.memref_slice %arg5[%multiple_of3A_29] : memref<320000xi32, #tpu.memory_space<hbm>> -> memref<80xi32, #tpu.memory_space<hbm>>
          tpu.enqueue_dma source(%dma_start3A_35 : memref<80xi32, #tpu.memory_space<hbm>>) target(%arg13 : memref<80xi32, #tpu.memory_space<vmem>>) target_semaphore(%run_scoped3A : memref<!tpu.dma_semaphore, #tpu.memory_space<semaphore_mem>>)
          %dma_wait3A_36 = tpu.memref_slice %arg5[%multiple_of3A_29] : memref<320000xi32, #tpu.memory_space<hbm>> -> memref<80xi32, #tpu.memory_space<hbm>>
          %dma_wait3A_37 = tpu.memref_slice %arg5[%multiple_of3A_29] : memref<320000xi32, #tpu.memory_space<hbm>> -> memref<80xi32, #tpu.memory_space<hbm>>
          tpu.wait_dma2 semaphore(%run_scoped3A : memref<!tpu.dma_semaphore, #tpu.memory_space<semaphore_mem>>) src(%dma_wait3A_37 : memref<80xi32, #tpu.memory_space<hbm>>) dst(%arg13 : memref<80xi32, #tpu.memory_space<vmem>>)
          tpu.yield
        }) : () -> ()
        %dma_start3A = arith.constant 0 : i32
        %dma_start3A_30 = arith.constant 0 : i32
        %dma_start3A_31 = tpu.memref_slice %arg2[%dma_start3A, %dma_start3A_30] : memref<10000x64xf32, #tpu.memory_space<hbm>> -> memref<10000x64xf32, #tpu.memory_space<hbm>>
        tpu.enqueue_indirect_dma source(%dma_start3A_31 : memref<10000x64xf32, #tpu.memory_space<hbm>>) target(%arg14 : memref<80x64xf32, #tpu.memory_space<vmem>>) offsets(%arg12 : memref<80xi32, #tpu.memory_space<vmem>>) semaphore(%arg15 : memref<!tpu.dma_semaphore, #tpu.memory_space<semaphore_mem>>)
        %dma_wait3A = arith.constant 0 : i32
        %dma_wait3A_32 = arith.constant 0 : i32
        %dma_wait3A_33 = tpu.memref_slice %arg2[%dma_wait3A, %dma_wait3A_32] : memref<10000x64xf32, #tpu.memory_space<hbm>> -> memref<10000x64xf32, #tpu.memory_space<hbm>>
        tpu.wait_indirect_dma semaphore(%arg15 : memref<!tpu.dma_semaphore, #tpu.memory_space<semaphore_mem>>) src(%dma_wait3A_33 : memref<10000x64xf32, #tpu.memory_space<hbm>>) dst(%arg14 : memref<80x64xf32, #tpu.memory_space<vmem>>)
        "tpu.region"() ({
          %run_scoped3A = tpu.sem_alloc : memref<!tpu.dma_semaphore, #tpu.memory_space<semaphore_mem>>
          %dma_start3A_34 = arith.constant 0 : i32
          %dma_start3A_35 = arith.constant 0 : i32
          %dma_start3A_36 = tpu.memref_slice %arg11[%dma_start3A_34, %dma_start3A_35] : memref<10240x64xf32, #tpu.memory_space<vmem_shared>> -> memref<10240x64xf32, #tpu.memory_space<vmem_shared>>
          tpu.enqueue_indirect_dma source(%arg14 : memref<80x64xf32, #tpu.memory_space<vmem>>) target(%dma_start3A_36 : memref<10240x64xf32, #tpu.memory_space<vmem_shared>>) offsets(%arg13 : memref<80xi32, #tpu.memory_space<vmem>>) semaphore(%run_scoped3A : memref<!tpu.dma_semaphore, #tpu.memory_space<semaphore_mem>>) {add = true}
          %dma_wait3A_37 = arith.constant 0 : i32
          %dma_wait3A_38 = arith.constant 0 : i32
          %dma_wait3A_39 = tpu.memref_slice %arg11[%dma_wait3A_37, %dma_wait3A_38] : memref<10240x64xf32, #tpu.memory_space<vmem_shared>> -> memref<10240x64xf32, #tpu.memory_space<vmem_shared>>
          tpu.wait_indirect_dma semaphore(%run_scoped3A : memref<!tpu.dma_semaphore, #tpu.memory_space<semaphore_mem>>) src(%arg14 : memref<80x64xf32, #tpu.memory_space<vmem>>) dst(%dma_wait3A_39 : memref<10240x64xf32, #tpu.memory_space<vmem_shared>>)
          tpu.yield
        }) : () -> ()
      }
      %scan3A_23 = arith.constant 250 : i32
    } else {
    }
    %eq3A_3 = arith.constant 1 : i32
    %eq3A_4 = arith.cmpi eq, %arg0, %eq3A_3 : i32
    %convert_element_type3A_5 = arith.extui %eq3A_4 : i1 to i32
    %cond3A_6 = arith.constant 0 : i32
    %cond3A_7 = arith.cmpi ne, %convert_element_type3A_5, %cond3A_6 : i32
    scf.if %cond3A_7 {
      %scan3A = arith.constant 0 : i32
      %scan3A_19 = arith.constant 0 : i32
      %scan3A_20 = arith.constant 250 : i32
      %scan3A_21 = arith.addi %scan3A_19, %scan3A_20 : i32
      %scan3A_22 = arith.constant 1 : i32
      scf.for %scan3A_24 = %scan3A_19 to %scan3A_21 step %scan3A_22  : i32 {
        %mul3A_25 = arith.constant 20000 : i32
        %mul3A_26 = arith.muli %arg1, %mul3A_25 : i32
        %mul3A_27 = arith.constant 80 : i32
        %mul3A_28 = arith.muli %scan3A_24, %mul3A_27 : i32
        %add3A = arith.addi %mul3A_26, %mul3A_28 : i32
        %multiple_of3A_29 = tpu.assume_multiple %add3A, 8 : i32
        "tpu.region"() ({
          %run_scoped3A = tpu.sem_alloc : memref<!tpu.dma_semaphore, #tpu.memory_space<semaphore_mem>>
          %dma_start3A_34 = tpu.memref_slice %arg6[%multiple_of3A_29] : memref<320000xi32, #tpu.memory_space<hbm>> -> memref<80xi32, #tpu.memory_space<hbm>>
          %dma_start3A_35 = tpu.memref_slice %arg6[%multiple_of3A_29] : memref<320000xi32, #tpu.memory_space<hbm>> -> memref<80xi32, #tpu.memory_space<hbm>>
          tpu.enqueue_dma source(%dma_start3A_35 : memref<80xi32, #tpu.memory_space<hbm>>) target(%arg12 : memref<80xi32, #tpu.memory_space<vmem>>) target_semaphore(%run_scoped3A : memref<!tpu.dma_semaphore, #tpu.memory_space<semaphore_mem>>)
          %dma_wait3A_36 = tpu.memref_slice %arg6[%multiple_of3A_29] : memref<320000xi32, #tpu.memory_space<hbm>> -> memref<80xi32, #tpu.memory_space<hbm>>
          %dma_wait3A_37 = tpu.memref_slice %arg6[%multiple_of3A_29] : memref<320000xi32, #tpu.memory_space<hbm>> -> memref<80xi32, #tpu.memory_space<hbm>>
          tpu.wait_dma2 semaphore(%run_scoped3A : memref<!tpu.dma_semaphore, #tpu.memory_space<semaphore_mem>>) src(%dma_wait3A_37 : memref<80xi32, #tpu.memory_space<hbm>>) dst(%arg12 : memref<80xi32, #tpu.memory_space<vmem>>)
          tpu.yield
        }) : () -> ()
        "tpu.region"() ({
          %run_scoped3A = tpu.sem_alloc : memref<!tpu.dma_semaphore, #tpu.memory_space<semaphore_mem>>
          %dma_start3A_34 = tpu.memref_slice %arg7[%multiple_of3A_29] : memref<320000xi32, #tpu.memory_space<hbm>> -> memref<80xi32, #tpu.memory_space<hbm>>
          %dma_start3A_35 = tpu.memref_slice %arg7[%multiple_of3A_29] : memref<320000xi32, #tpu.memory_space<hbm>> -> memref<80xi32, #tpu.memory_space<hbm>>
          tpu.enqueue_dma source(%dma_start3A_35 : memref<80xi32, #tpu.memory_space<hbm>>) target(%arg13 : memref<80xi32, #tpu.memory_space<vmem>>) target_semaphore(%run_scoped3A : memref<!tpu.dma_semaphore, #tpu.memory_space<semaphore_mem>>)
          %dma_wait3A_36 = tpu.memref_slice %arg7[%multiple_of3A_29] : memref<320000xi32, #tpu.memory_space<hbm>> -> memref<80xi32, #tpu.memory_space<hbm>>
          %dma_wait3A_37 = tpu.memref_slice %arg7[%multiple_of3A_29] : memref<320000xi32, #tpu.memory_space<hbm>> -> memref<80xi32, #tpu.memory_space<hbm>>
          tpu.wait_dma2 semaphore(%run_scoped3A : memref<!tpu.dma_semaphore, #tpu.memory_space<semaphore_mem>>) src(%dma_wait3A_37 : memref<80xi32, #tpu.memory_space<hbm>>) dst(%arg13 : memref<80xi32, #tpu.memory_space<vmem>>)
          tpu.yield
        }) : () -> ()
        %dma_start3A = arith.constant 0 : i32
        %dma_start3A_30 = arith.constant 0 : i32
        %dma_start3A_31 = tpu.memref_slice %arg3[%dma_start3A, %dma_start3A_30] : memref<10000x64xf32, #tpu.memory_space<hbm>> -> memref<10000x64xf32, #tpu.memory_space<hbm>>
        tpu.enqueue_indirect_dma source(%dma_start3A_31 : memref<10000x64xf32, #tpu.memory_space<hbm>>) target(%arg14 : memref<80x64xf32, #tpu.memory_space<vmem>>) offsets(%arg12 : memref<80xi32, #tpu.memory_space<vmem>>) semaphore(%arg15 : memref<!tpu.dma_semaphore, #tpu.memory_space<semaphore_mem>>)
        %dma_wait3A = arith.constant 0 : i32
        %dma_wait3A_32 = arith.constant 0 : i32
        %dma_wait3A_33 = tpu.memref_slice %arg3[%dma_wait3A, %dma_wait3A_32] : memref<10000x64xf32, #tpu.memory_space<hbm>> -> memref<10000x64xf32, #tpu.memory_space<hbm>>
        tpu.wait_indirect_dma semaphore(%arg15 : memref<!tpu.dma_semaphore, #tpu.memory_space<semaphore_mem>>) src(%dma_wait3A_33 : memref<10000x64xf32, #tpu.memory_space<hbm>>) dst(%arg14 : memref<80x64xf32, #tpu.memory_space<vmem>>)
        "tpu.region"() ({
          %run_scoped3A = tpu.sem_alloc : memref<!tpu.dma_semaphore, #tpu.memory_space<semaphore_mem>>
          %dma_start3A_34 = arith.constant 0 : i32
          %dma_start3A_35 = arith.constant 0 : i32
          %dma_start3A_36 = tpu.memref_slice %arg11[%dma_start3A_34, %dma_start3A_35] : memref<10240x64xf32, #tpu.memory_space<vmem_shared>> -> memref<10240x64xf32, #tpu.memory_space<vmem_shared>>
          tpu.enqueue_indirect_dma source(%arg14 : memref<80x64xf32, #tpu.memory_space<vmem>>) target(%dma_start3A_36 : memref<10240x64xf32, #tpu.memory_space<vmem_shared>>) offsets(%arg13 : memref<80xi32, #tpu.memory_space<vmem>>) semaphore(%run_scoped3A : memref<!tpu.dma_semaphore, #tpu.memory_space<semaphore_mem>>) {add = true}
          %dma_wait3A_37 = arith.constant 0 : i32
          %dma_wait3A_38 = arith.constant 0 : i32
          %dma_wait3A_39 = tpu.memref_slice %arg11[%dma_wait3A_37, %dma_wait3A_38] : memref<10240x64xf32, #tpu.memory_space<vmem_shared>> -> memref<10240x64xf32, #tpu.memory_space<vmem_shared>>
          tpu.wait_indirect_dma semaphore(%run_scoped3A : memref<!tpu.dma_semaphore, #tpu.memory_space<semaphore_mem>>) src(%arg14 : memref<80x64xf32, #tpu.memory_space<vmem>>) dst(%dma_wait3A_39 : memref<10240x64xf32, #tpu.memory_space<vmem_shared>>)
          tpu.yield
        }) : () -> ()
      }
      %scan3A_23 = arith.constant 250 : i32
    } else {
    }
    %barrier3A_8 = arith.constant 0 : index
    tpu.barrier barrier_id(%barrier3A_8)
    %eq3A_9 = arith.constant 0 : i32
    %eq3A_10 = arith.cmpi eq, %arg0, %eq3A_9 : i32
    %convert_element_type3A_11 = arith.extui %eq3A_10 : i1 to i32
    %cond3A_12 = arith.constant 0 : i32
    %cond3A_13 = arith.cmpi ne, %convert_element_type3A_11, %cond3A_12 : i32
    scf.if %cond3A_13 {
      "tpu.region"() ({
        %run_scoped3A = tpu.sem_alloc : memref<!tpu.dma_semaphore, #tpu.memory_space<semaphore_mem>>
        %dma_start3A = arith.constant 0 : i32
        %dma_start3A_19 = tpu.memref_slice %arg9[%multiple_of3A, %dma_start3A] : memref<10240x64xf32, #tpu.memory_space<hbm>> -> memref<640x64xf32, #tpu.memory_space<hbm>>
        %dma_start3A_20 = arith.constant 0 : i32
        %dma_start3A_21 = tpu.memref_slice %arg11[%multiple_of3A, %dma_start3A_20] : memref<10240x64xf32, #tpu.memory_space<vmem_shared>> -> memref<640x64xf32, #tpu.memory_space<vmem_shared>>
        tpu.enqueue_dma source(%dma_start3A_21 : memref<640x64xf32, #tpu.memory_space<vmem_shared>>) target(%dma_start3A_19 : memref<640x64xf32, #tpu.memory_space<hbm>>) target_semaphore(%run_scoped3A : memref<!tpu.dma_semaphore, #tpu.memory_space<semaphore_mem>>)
        %dma_wait3A = arith.constant 0 : i32
        %dma_wait3A_22 = tpu.memref_slice %arg9[%multiple_of3A, %dma_wait3A] : memref<10240x64xf32, #tpu.memory_space<hbm>> -> memref<640x64xf32, #tpu.memory_space<hbm>>
        %dma_wait3A_23 = arith.constant 0 : i32
        %dma_wait3A_24 = tpu.memref_slice %arg11[%multiple_of3A, %dma_wait3A_23] : memref<10240x64xf32, #tpu.memory_space<vmem_shared>> -> memref<640x64xf32, #tpu.memory_space<vmem_shared>>
        tpu.wait_dma2 semaphore(%run_scoped3A : memref<!tpu.dma_semaphore, #tpu.memory_space<semaphore_mem>>) src(%dma_wait3A_24 : memref<640x64xf32, #tpu.memory_space<vmem_shared>>) dst(%dma_wait3A_22 : memref<640x64xf32, #tpu.memory_space<hbm>>)
        tpu.yield
      }) : () -> ()
    } else {
    }
    %eq3A_14 = arith.constant 1 : i32
    %eq3A_15 = arith.cmpi eq, %arg0, %eq3A_14 : i32
    %convert_element_type3A_16 = arith.extui %eq3A_15 : i1 to i32
    %cond3A_17 = arith.constant 0 : i32
    %cond3A_18 = arith.cmpi ne, %convert_element_type3A_16, %cond3A_17 : i32
    scf.if %cond3A_18 {
      "tpu.region"() ({
        %run_scoped3A = tpu.sem_alloc : memref<!tpu.dma_semaphore, #tpu.memory_space<semaphore_mem>>
        %dma_start3A = arith.constant 0 : i32
        %dma_start3A_19 = tpu.memref_slice %arg10[%multiple_of3A, %dma_start3A] : memref<10240x64xf32, #tpu.memory_space<hbm>> -> memref<640x64xf32, #tpu.memory_space<hbm>>
        %dma_start3A_20 = arith.constant 0 : i32
        %dma_start3A_21 = tpu.memref_slice %arg11[%multiple_of3A, %dma_start3A_20] : memref<10240x64xf32, #tpu.memory_space<vmem_shared>> -> memref<640x64xf32, #tpu.memory_space<vmem_shared>>
        tpu.enqueue_dma source(%dma_start3A_21 : memref<640x64xf32, #tpu.memory_space<vmem_shared>>) target(%dma_start3A_19 : memref<640x64xf32, #tpu.memory_space<hbm>>) target_semaphore(%run_scoped3A : memref<!tpu.dma_semaphore, #tpu.memory_space<semaphore_mem>>)
        %dma_wait3A = arith.constant 0 : i32
        %dma_wait3A_22 = tpu.memref_slice %arg10[%multiple_of3A, %dma_wait3A] : memref<10240x64xf32, #tpu.memory_space<hbm>> -> memref<640x64xf32, #tpu.memory_space<hbm>>
        %dma_wait3A_23 = arith.constant 0 : i32
        %dma_wait3A_24 = tpu.memref_slice %arg11[%multiple_of3A, %dma_wait3A_23] : memref<10240x64xf32, #tpu.memory_space<vmem_shared>> -> memref<640x64xf32, #tpu.memory_space<vmem_shared>>
        tpu.wait_dma2 semaphore(%run_scoped3A : memref<!tpu.dma_semaphore, #tpu.memory_space<semaphore_mem>>) src(%dma_wait3A_24 : memref<640x64xf32, #tpu.memory_space<vmem_shared>>) dst(%dma_wait3A_22 : memref<640x64xf32, #tpu.memory_space<hbm>>)
        tpu.yield
      }) : () -> ()
    } else {
    }
    return
  }
}

#map = affine_map<(d0, d1) -> (0)>
#map1 = affine_map<(d0, d1) -> (0, 0)>
module attributes {stable_mosaic.version = 14 : i64} {
  func.func @cnt_body(%arg0: i32, %arg1: i32, %arg2: memref<320000xi32, #tpu.memory_space<hbm>>, %arg3: memref<320000xi32, #tpu.memory_space<hbm>>, %arg4: memref<640x16xf32, #tpu.memory_space<hbm>>, %arg5: memref<80x16xf32, #tpu.memory_space<hbm>>, %arg6: memref<10240x16xf32, #tpu.memory_space<hbm>>, %arg7: memref<10240x16xf32, #tpu.memory_space<hbm>>, %arg8: memref<10240x16xf32, #tpu.memory_space<vmem_shared>>, %arg9: memref<80xi32, #tpu.memory_space<vmem>>, %arg10: memref<80x16xf32, #tpu.memory_space<vmem>>, %arg11: memref<!tpu.dma_semaphore, #tpu.memory_space<semaphore_mem>>) attributes {dimension_semantics = [#tpu.dimension_semantics<core_parallel>, #tpu.dimension_semantics<subcore_parallel>], iteration_bounds = array<i64: 2, 16>, scalar_prefetch = 0 : i64, scratch_operands = 4 : i64, tpu.core_type = #tpu.core_type<sc_vector_subcore>, window_params = [{transform_indices = #map}, {transform_indices = #map}, {transform_indices = #map1}, {transform_indices = #map1}, {transform_indices = #map1}, {transform_indices = #map1}]} {
    %mul3A = arith.constant 640 : i32
    %mul3A_0 = arith.muli %arg1, %mul3A : i32
    %multiple_of3A = tpu.assume_multiple %mul3A_0, 8 : i32
    "tpu.region"() ({
      %run_scoped3A = tpu.sem_alloc : memref<!tpu.dma_semaphore, #tpu.memory_space<semaphore_mem>>
      %dma_start3A = arith.constant 0 : i32
      %dma_start3A_19 = tpu.memref_slice %arg8[%multiple_of3A, %dma_start3A] : memref<10240x16xf32, #tpu.memory_space<vmem_shared>> -> memref<640x16xf32, #tpu.memory_space<vmem_shared>>
      tpu.enqueue_dma source(%arg4 : memref<640x16xf32, #tpu.memory_space<hbm>>) target(%dma_start3A_19 : memref<640x16xf32, #tpu.memory_space<vmem_shared>>) target_semaphore(%run_scoped3A : memref<!tpu.dma_semaphore, #tpu.memory_space<semaphore_mem>>)
      %dma_wait3A = arith.constant 0 : i32
      %dma_wait3A_20 = tpu.memref_slice %arg8[%multiple_of3A, %dma_wait3A] : memref<10240x16xf32, #tpu.memory_space<vmem_shared>> -> memref<640x16xf32, #tpu.memory_space<vmem_shared>>
      tpu.wait_dma2 semaphore(%run_scoped3A : memref<!tpu.dma_semaphore, #tpu.memory_space<semaphore_mem>>) src(%arg4 : memref<640x16xf32, #tpu.memory_space<hbm>>) dst(%dma_wait3A_20 : memref<640x16xf32, #tpu.memory_space<vmem_shared>>)
      tpu.yield
    }) : () -> ()
    "tpu.region"() ({
      %run_scoped3A = tpu.sem_alloc : memref<!tpu.dma_semaphore, #tpu.memory_space<semaphore_mem>>
      tpu.enqueue_dma source(%arg5 : memref<80x16xf32, #tpu.memory_space<hbm>>) target(%arg10 : memref<80x16xf32, #tpu.memory_space<vmem>>) target_semaphore(%run_scoped3A : memref<!tpu.dma_semaphore, #tpu.memory_space<semaphore_mem>>)
      tpu.wait_dma2 semaphore(%run_scoped3A : memref<!tpu.dma_semaphore, #tpu.memory_space<semaphore_mem>>) src(%arg5 : memref<80x16xf32, #tpu.memory_space<hbm>>) dst(%arg10 : memref<80x16xf32, #tpu.memory_space<vmem>>)
      tpu.yield
    }) : () -> ()
    %barrier3A = arith.constant 0 : index
    tpu.barrier barrier_id(%barrier3A)
    %eq3A = arith.constant 0 : i32
    %eq3A_1 = arith.cmpi eq, %arg0, %eq3A : i32
    %convert_element_type3A = arith.extui %eq3A_1 : i1 to i32
    %cond3A = arith.constant 0 : i32
    %cond3A_2 = arith.cmpi ne, %convert_element_type3A, %cond3A : i32
    scf.if %cond3A_2 {
      %scan3A = arith.constant 0 : i32
      %scan3A_19 = arith.constant 0 : i32
      %scan3A_20 = arith.constant 250 : i32
      %scan3A_21 = arith.addi %scan3A_19, %scan3A_20 : i32
      %scan3A_22 = arith.constant 1 : i32
      scf.for %scan3A_24 = %scan3A_19 to %scan3A_21 step %scan3A_22  : i32 {
        %mul3A_25 = arith.constant 20000 : i32
        %mul3A_26 = arith.muli %arg1, %mul3A_25 : i32
        %mul3A_27 = arith.constant 80 : i32
        %mul3A_28 = arith.muli %scan3A_24, %mul3A_27 : i32
        %add3A = arith.addi %mul3A_26, %mul3A_28 : i32
        %multiple_of3A_29 = tpu.assume_multiple %add3A, 8 : i32
        "tpu.region"() ({
          %run_scoped3A = tpu.sem_alloc : memref<!tpu.dma_semaphore, #tpu.memory_space<semaphore_mem>>
          %dma_start3A = tpu.memref_slice %arg2[%multiple_of3A_29] : memref<320000xi32, #tpu.memory_space<hbm>> -> memref<80xi32, #tpu.memory_space<hbm>>
          %dma_start3A_30 = tpu.memref_slice %arg2[%multiple_of3A_29] : memref<320000xi32, #tpu.memory_space<hbm>> -> memref<80xi32, #tpu.memory_space<hbm>>
          tpu.enqueue_dma source(%dma_start3A_30 : memref<80xi32, #tpu.memory_space<hbm>>) target(%arg9 : memref<80xi32, #tpu.memory_space<vmem>>) target_semaphore(%run_scoped3A : memref<!tpu.dma_semaphore, #tpu.memory_space<semaphore_mem>>)
          %dma_wait3A = tpu.memref_slice %arg2[%multiple_of3A_29] : memref<320000xi32, #tpu.memory_space<hbm>> -> memref<80xi32, #tpu.memory_space<hbm>>
          %dma_wait3A_31 = tpu.memref_slice %arg2[%multiple_of3A_29] : memref<320000xi32, #tpu.memory_space<hbm>> -> memref<80xi32, #tpu.memory_space<hbm>>
          tpu.wait_dma2 semaphore(%run_scoped3A : memref<!tpu.dma_semaphore, #tpu.memory_space<semaphore_mem>>) src(%dma_wait3A_31 : memref<80xi32, #tpu.memory_space<hbm>>) dst(%arg9 : memref<80xi32, #tpu.memory_space<vmem>>)
          tpu.yield
        }) : () -> ()
        "tpu.region"() ({
          %run_scoped3A = tpu.sem_alloc : memref<!tpu.dma_semaphore, #tpu.memory_space<semaphore_mem>>
          %dma_start3A = arith.constant 0 : i32
          %dma_start3A_30 = arith.constant 0 : i32
          %dma_start3A_31 = tpu.memref_slice %arg8[%dma_start3A, %dma_start3A_30] : memref<10240x16xf32, #tpu.memory_space<vmem_shared>> -> memref<10240x16xf32, #tpu.memory_space<vmem_shared>>
          tpu.enqueue_indirect_dma source(%arg10 : memref<80x16xf32, #tpu.memory_space<vmem>>) target(%dma_start3A_31 : memref<10240x16xf32, #tpu.memory_space<vmem_shared>>) offsets(%arg9 : memref<80xi32, #tpu.memory_space<vmem>>) semaphore(%run_scoped3A : memref<!tpu.dma_semaphore, #tpu.memory_space<semaphore_mem>>) {add = true}
          %dma_wait3A = arith.constant 0 : i32
          %dma_wait3A_32 = arith.constant 0 : i32
          %dma_wait3A_33 = tpu.memref_slice %arg8[%dma_wait3A, %dma_wait3A_32] : memref<10240x16xf32, #tpu.memory_space<vmem_shared>> -> memref<10240x16xf32, #tpu.memory_space<vmem_shared>>
          tpu.wait_indirect_dma semaphore(%run_scoped3A : memref<!tpu.dma_semaphore, #tpu.memory_space<semaphore_mem>>) src(%arg10 : memref<80x16xf32, #tpu.memory_space<vmem>>) dst(%dma_wait3A_33 : memref<10240x16xf32, #tpu.memory_space<vmem_shared>>)
          tpu.yield
        }) : () -> ()
      }
      %scan3A_23 = arith.constant 250 : i32
    } else {
    }
    %eq3A_3 = arith.constant 1 : i32
    %eq3A_4 = arith.cmpi eq, %arg0, %eq3A_3 : i32
    %convert_element_type3A_5 = arith.extui %eq3A_4 : i1 to i32
    %cond3A_6 = arith.constant 0 : i32
    %cond3A_7 = arith.cmpi ne, %convert_element_type3A_5, %cond3A_6 : i32
    scf.if %cond3A_7 {
      %scan3A = arith.constant 0 : i32
      %scan3A_19 = arith.constant 0 : i32
      %scan3A_20 = arith.constant 250 : i32
      %scan3A_21 = arith.addi %scan3A_19, %scan3A_20 : i32
      %scan3A_22 = arith.constant 1 : i32
      scf.for %scan3A_24 = %scan3A_19 to %scan3A_21 step %scan3A_22  : i32 {
        %mul3A_25 = arith.constant 20000 : i32
        %mul3A_26 = arith.muli %arg1, %mul3A_25 : i32
        %mul3A_27 = arith.constant 80 : i32
        %mul3A_28 = arith.muli %scan3A_24, %mul3A_27 : i32
        %add3A = arith.addi %mul3A_26, %mul3A_28 : i32
        %multiple_of3A_29 = tpu.assume_multiple %add3A, 8 : i32
        "tpu.region"() ({
          %run_scoped3A = tpu.sem_alloc : memref<!tpu.dma_semaphore, #tpu.memory_space<semaphore_mem>>
          %dma_start3A = tpu.memref_slice %arg3[%multiple_of3A_29] : memref<320000xi32, #tpu.memory_space<hbm>> -> memref<80xi32, #tpu.memory_space<hbm>>
          %dma_start3A_30 = tpu.memref_slice %arg3[%multiple_of3A_29] : memref<320000xi32, #tpu.memory_space<hbm>> -> memref<80xi32, #tpu.memory_space<hbm>>
          tpu.enqueue_dma source(%dma_start3A_30 : memref<80xi32, #tpu.memory_space<hbm>>) target(%arg9 : memref<80xi32, #tpu.memory_space<vmem>>) target_semaphore(%run_scoped3A : memref<!tpu.dma_semaphore, #tpu.memory_space<semaphore_mem>>)
          %dma_wait3A = tpu.memref_slice %arg3[%multiple_of3A_29] : memref<320000xi32, #tpu.memory_space<hbm>> -> memref<80xi32, #tpu.memory_space<hbm>>
          %dma_wait3A_31 = tpu.memref_slice %arg3[%multiple_of3A_29] : memref<320000xi32, #tpu.memory_space<hbm>> -> memref<80xi32, #tpu.memory_space<hbm>>
          tpu.wait_dma2 semaphore(%run_scoped3A : memref<!tpu.dma_semaphore, #tpu.memory_space<semaphore_mem>>) src(%dma_wait3A_31 : memref<80xi32, #tpu.memory_space<hbm>>) dst(%arg9 : memref<80xi32, #tpu.memory_space<vmem>>)
          tpu.yield
        }) : () -> ()
        "tpu.region"() ({
          %run_scoped3A = tpu.sem_alloc : memref<!tpu.dma_semaphore, #tpu.memory_space<semaphore_mem>>
          %dma_start3A = arith.constant 0 : i32
          %dma_start3A_30 = arith.constant 0 : i32
          %dma_start3A_31 = tpu.memref_slice %arg8[%dma_start3A, %dma_start3A_30] : memref<10240x16xf32, #tpu.memory_space<vmem_shared>> -> memref<10240x16xf32, #tpu.memory_space<vmem_shared>>
          tpu.enqueue_indirect_dma source(%arg10 : memref<80x16xf32, #tpu.memory_space<vmem>>) target(%dma_start3A_31 : memref<10240x16xf32, #tpu.memory_space<vmem_shared>>) offsets(%arg9 : memref<80xi32, #tpu.memory_space<vmem>>) semaphore(%run_scoped3A : memref<!tpu.dma_semaphore, #tpu.memory_space<semaphore_mem>>) {add = true}
          %dma_wait3A = arith.constant 0 : i32
          %dma_wait3A_32 = arith.constant 0 : i32
          %dma_wait3A_33 = tpu.memref_slice %arg8[%dma_wait3A, %dma_wait3A_32] : memref<10240x16xf32, #tpu.memory_space<vmem_shared>> -> memref<10240x16xf32, #tpu.memory_space<vmem_shared>>
          tpu.wait_indirect_dma semaphore(%run_scoped3A : memref<!tpu.dma_semaphore, #tpu.memory_space<semaphore_mem>>) src(%arg10 : memref<80x16xf32, #tpu.memory_space<vmem>>) dst(%dma_wait3A_33 : memref<10240x16xf32, #tpu.memory_space<vmem_shared>>)
          tpu.yield
        }) : () -> ()
      }
      %scan3A_23 = arith.constant 250 : i32
    } else {
    }
    %barrier3A_8 = arith.constant 0 : index
    tpu.barrier barrier_id(%barrier3A_8)
    %eq3A_9 = arith.constant 0 : i32
    %eq3A_10 = arith.cmpi eq, %arg0, %eq3A_9 : i32
    %convert_element_type3A_11 = arith.extui %eq3A_10 : i1 to i32
    %cond3A_12 = arith.constant 0 : i32
    %cond3A_13 = arith.cmpi ne, %convert_element_type3A_11, %cond3A_12 : i32
    scf.if %cond3A_13 {
      "tpu.region"() ({
        %run_scoped3A = tpu.sem_alloc : memref<!tpu.dma_semaphore, #tpu.memory_space<semaphore_mem>>
        %dma_start3A = arith.constant 0 : i32
        %dma_start3A_19 = tpu.memref_slice %arg6[%multiple_of3A, %dma_start3A] : memref<10240x16xf32, #tpu.memory_space<hbm>> -> memref<640x16xf32, #tpu.memory_space<hbm>>
        %dma_start3A_20 = arith.constant 0 : i32
        %dma_start3A_21 = tpu.memref_slice %arg8[%multiple_of3A, %dma_start3A_20] : memref<10240x16xf32, #tpu.memory_space<vmem_shared>> -> memref<640x16xf32, #tpu.memory_space<vmem_shared>>
        tpu.enqueue_dma source(%dma_start3A_21 : memref<640x16xf32, #tpu.memory_space<vmem_shared>>) target(%dma_start3A_19 : memref<640x16xf32, #tpu.memory_space<hbm>>) target_semaphore(%run_scoped3A : memref<!tpu.dma_semaphore, #tpu.memory_space<semaphore_mem>>)
        %dma_wait3A = arith.constant 0 : i32
        %dma_wait3A_22 = tpu.memref_slice %arg6[%multiple_of3A, %dma_wait3A] : memref<10240x16xf32, #tpu.memory_space<hbm>> -> memref<640x16xf32, #tpu.memory_space<hbm>>
        %dma_wait3A_23 = arith.constant 0 : i32
        %dma_wait3A_24 = tpu.memref_slice %arg8[%multiple_of3A, %dma_wait3A_23] : memref<10240x16xf32, #tpu.memory_space<vmem_shared>> -> memref<640x16xf32, #tpu.memory_space<vmem_shared>>
        tpu.wait_dma2 semaphore(%run_scoped3A : memref<!tpu.dma_semaphore, #tpu.memory_space<semaphore_mem>>) src(%dma_wait3A_24 : memref<640x16xf32, #tpu.memory_space<vmem_shared>>) dst(%dma_wait3A_22 : memref<640x16xf32, #tpu.memory_space<hbm>>)
        tpu.yield
      }) : () -> ()
    } else {
    }
    %eq3A_14 = arith.constant 1 : i32
    %eq3A_15 = arith.cmpi eq, %arg0, %eq3A_14 : i32
    %convert_element_type3A_16 = arith.extui %eq3A_15 : i1 to i32
    %cond3A_17 = arith.constant 0 : i32
    %cond3A_18 = arith.cmpi ne, %convert_element_type3A_16, %cond3A_17 : i32
    scf.if %cond3A_18 {
      "tpu.region"() ({
        %run_scoped3A = tpu.sem_alloc : memref<!tpu.dma_semaphore, #tpu.memory_space<semaphore_mem>>
        %dma_start3A = arith.constant 0 : i32
        %dma_start3A_19 = tpu.memref_slice %arg7[%multiple_of3A, %dma_start3A] : memref<10240x16xf32, #tpu.memory_space<hbm>> -> memref<640x16xf32, #tpu.memory_space<hbm>>
        %dma_start3A_20 = arith.constant 0 : i32
        %dma_start3A_21 = tpu.memref_slice %arg8[%multiple_of3A, %dma_start3A_20] : memref<10240x16xf32, #tpu.memory_space<vmem_shared>> -> memref<640x16xf32, #tpu.memory_space<vmem_shared>>
        tpu.enqueue_dma source(%dma_start3A_21 : memref<640x16xf32, #tpu.memory_space<vmem_shared>>) target(%dma_start3A_19 : memref<640x16xf32, #tpu.memory_space<hbm>>) target_semaphore(%run_scoped3A : memref<!tpu.dma_semaphore, #tpu.memory_space<semaphore_mem>>)
        %dma_wait3A = arith.constant 0 : i32
        %dma_wait3A_22 = tpu.memref_slice %arg7[%multiple_of3A, %dma_wait3A] : memref<10240x16xf32, #tpu.memory_space<hbm>> -> memref<640x16xf32, #tpu.memory_space<hbm>>
        %dma_wait3A_23 = arith.constant 0 : i32
        %dma_wait3A_24 = tpu.memref_slice %arg8[%multiple_of3A, %dma_wait3A_23] : memref<10240x16xf32, #tpu.memory_space<vmem_shared>> -> memref<640x16xf32, #tpu.memory_space<vmem_shared>>
        tpu.wait_dma2 semaphore(%run_scoped3A : memref<!tpu.dma_semaphore, #tpu.memory_space<semaphore_mem>>) src(%dma_wait3A_24 : memref<640x16xf32, #tpu.memory_space<vmem_shared>>) dst(%dma_wait3A_22 : memref<640x16xf32, #tpu.memory_space<hbm>>)
        tpu.yield
      }) : () -> ()
    } else {
    }
    return
  }
}

#map = affine_map<(d0, d1) -> (0, 0)>
#map1 = affine_map<(d0, d1) -> (0)>
module attributes {stable_mosaic.version = 14 : i64} {
  func.func @agg_body(%arg0: i32, %arg1: i32, %arg2: memref<10000x64xf32, #tpu.memory_space<hbm>>, %arg3: memref<10000x64xf32, #tpu.memory_space<hbm>>, %arg4: memref<320000xi32, #tpu.memory_space<hbm>>, %arg5: memref<320000xi32, #tpu.memory_space<hbm>>, %arg6: memref<320000xi32, #tpu.memory_space<hbm>>, %arg7: memref<320000xi32, #tpu.memory_space<hbm>>, %arg8: memref<640x64xf32, #tpu.memory_space<hbm>>, %arg9: memref<10240x64xf32, #tpu.memory_space<hbm>>, %arg10: memref<10240x64xf32, #tpu.memory_space<hbm>>, %arg11: memref<10240x64xf32, #tpu.memory_space<vmem_shared>>, %arg12: memref<80xi32, #tpu.memory_space<vmem>>, %arg13: memref<80xi32, #tpu.memory_space<vmem>>, %arg14: memref<80x64xf32, #tpu.memory_space<vmem>>, %arg15: memref<!tpu.dma_semaphore, #tpu.memory_space<semaphore_mem>>) attributes {dimension_semantics = [#tpu.dimension_semantics<core_parallel>, #tpu.dimension_semantics<subcore_parallel>], iteration_bounds = array<i64: 2, 16>, scalar_prefetch = 0 : i64, scratch_operands = 5 : i64, tpu.core_type = #tpu.core_type<sc_vector_subcore>, window_params = [{transform_indices = #map}, {transform_indices = #map}, {transform_indices = #map1}, {transform_indices = #map1}, {transform_indices = #map1}, {transform_indices = #map1}, {transform_indices = #map}, {transform_indices = #map}, {transform_indices = #map}]} {
    %mul3A = arith.constant 640 : i32
    %mul3A_0 = arith.muli %arg1, %mul3A : i32
    %multiple_of3A = tpu.assume_multiple %mul3A_0, 8 : i32
    "tpu.region"() ({
      %run_scoped3A = tpu.sem_alloc : memref<!tpu.dma_semaphore, #tpu.memory_space<semaphore_mem>>
      %dma_start3A = arith.constant 0 : i32
      %dma_start3A_19 = tpu.memref_slice %arg11[%multiple_of3A, %dma_start3A] : memref<10240x64xf32, #tpu.memory_space<vmem_shared>> -> memref<640x64xf32, #tpu.memory_space<vmem_shared>>
      tpu.enqueue_dma source(%arg8 : memref<640x64xf32, #tpu.memory_space<hbm>>) target(%dma_start3A_19 : memref<640x64xf32, #tpu.memory_space<vmem_shared>>) target_semaphore(%run_scoped3A : memref<!tpu.dma_semaphore, #tpu.memory_space<semaphore_mem>>)
      %dma_wait3A = arith.constant 0 : i32
      %dma_wait3A_20 = tpu.memref_slice %arg11[%multiple_of3A, %dma_wait3A] : memref<10240x64xf32, #tpu.memory_space<vmem_shared>> -> memref<640x64xf32, #tpu.memory_space<vmem_shared>>
      tpu.wait_dma2 semaphore(%run_scoped3A : memref<!tpu.dma_semaphore, #tpu.memory_space<semaphore_mem>>) src(%arg8 : memref<640x64xf32, #tpu.memory_space<hbm>>) dst(%dma_wait3A_20 : memref<640x64xf32, #tpu.memory_space<vmem_shared>>)
      tpu.yield
    }) : () -> ()
    %barrier3A = arith.constant 0 : index
    tpu.barrier barrier_id(%barrier3A)
    %eq3A = arith.constant 0 : i32
    %eq3A_1 = arith.cmpi eq, %arg0, %eq3A : i32
    %convert_element_type3A = arith.extui %eq3A_1 : i1 to i32
    %cond3A = arith.constant 0 : i32
    %cond3A_2 = arith.cmpi ne, %convert_element_type3A, %cond3A : i32
    scf.if %cond3A_2 {
      %scan3A = arith.constant 0 : i32
      %scan3A_19 = arith.constant 0 : i32
      %scan3A_20 = arith.constant 250 : i32
      %scan3A_21 = arith.addi %scan3A_19, %scan3A_20 : i32
      %scan3A_22 = arith.constant 1 : i32
      scf.for %scan3A_24 = %scan3A_19 to %scan3A_21 step %scan3A_22  : i32 {
        %mul3A_25 = arith.constant 20000 : i32
        %mul3A_26 = arith.muli %arg1, %mul3A_25 : i32
        %mul3A_27 = arith.constant 80 : i32
        %mul3A_28 = arith.muli %scan3A_24, %mul3A_27 : i32
        %add3A = arith.addi %mul3A_26, %mul3A_28 : i32
        %multiple_of3A_29 = tpu.assume_multiple %add3A, 8 : i32
        "tpu.region"() ({
          %run_scoped3A = tpu.sem_alloc : memref<!tpu.dma_semaphore, #tpu.memory_space<semaphore_mem>>
          %dma_start3A_34 = tpu.memref_slice %arg4[%multiple_of3A_29] : memref<320000xi32, #tpu.memory_space<hbm>> -> memref<80xi32, #tpu.memory_space<hbm>>
          %dma_start3A_35 = tpu.memref_slice %arg4[%multiple_of3A_29] : memref<320000xi32, #tpu.memory_space<hbm>> -> memref<80xi32, #tpu.memory_space<hbm>>
          tpu.enqueue_dma source(%dma_start3A_35 : memref<80xi32, #tpu.memory_space<hbm>>) target(%arg12 : memref<80xi32, #tpu.memory_space<vmem>>) target_semaphore(%run_scoped3A : memref<!tpu.dma_semaphore, #tpu.memory_space<semaphore_mem>>)
          %dma_wait3A_36 = tpu.memref_slice %arg4[%multiple_of3A_29] : memref<320000xi32, #tpu.memory_space<hbm>> -> memref<80xi32, #tpu.memory_space<hbm>>
          %dma_wait3A_37 = tpu.memref_slice %arg4[%multiple_of3A_29] : memref<320000xi32, #tpu.memory_space<hbm>> -> memref<80xi32, #tpu.memory_space<hbm>>
          tpu.wait_dma2 semaphore(%run_scoped3A : memref<!tpu.dma_semaphore, #tpu.memory_space<semaphore_mem>>) src(%dma_wait3A_37 : memref<80xi32, #tpu.memory_space<hbm>>) dst(%arg12 : memref<80xi32, #tpu.memory_space<vmem>>)
          tpu.yield
        }) : () -> ()
        "tpu.region"() ({
          %run_scoped3A = tpu.sem_alloc : memref<!tpu.dma_semaphore, #tpu.memory_space<semaphore_mem>>
          %dma_start3A_34 = tpu.memref_slice %arg5[%multiple_of3A_29] : memref<320000xi32, #tpu.memory_space<hbm>> -> memref<80xi32, #tpu.memory_space<hbm>>
          %dma_start3A_35 = tpu.memref_slice %arg5[%multiple_of3A_29] : memref<320000xi32, #tpu.memory_space<hbm>> -> memref<80xi32, #tpu.memory_space<hbm>>
          tpu.enqueue_dma source(%dma_start3A_35 : memref<80xi32, #tpu.memory_space<hbm>>) target(%arg13 : memref<80xi32, #tpu.memory_space<vmem>>) target_semaphore(%run_scoped3A : memref<!tpu.dma_semaphore, #tpu.memory_space<semaphore_mem>>)
          %dma_wait3A_36 = tpu.memref_slice %arg5[%multiple_of3A_29] : memref<320000xi32, #tpu.memory_space<hbm>> -> memref<80xi32, #tpu.memory_space<hbm>>
          %dma_wait3A_37 = tpu.memref_slice %arg5[%multiple_of3A_29] : memref<320000xi32, #tpu.memory_space<hbm>> -> memref<80xi32, #tpu.memory_space<hbm>>
          tpu.wait_dma2 semaphore(%run_scoped3A : memref<!tpu.dma_semaphore, #tpu.memory_space<semaphore_mem>>) src(%dma_wait3A_37 : memref<80xi32, #tpu.memory_space<hbm>>) dst(%arg13 : memref<80xi32, #tpu.memory_space<vmem>>)
          tpu.yield
        }) : () -> ()
        %dma_start3A = arith.constant 0 : i32
        %dma_start3A_30 = arith.constant 0 : i32
        %dma_start3A_31 = tpu.memref_slice %arg2[%dma_start3A, %dma_start3A_30] : memref<10000x64xf32, #tpu.memory_space<hbm>> -> memref<10000x64xf32, #tpu.memory_space<hbm>>
        tpu.enqueue_indirect_dma source(%dma_start3A_31 : memref<10000x64xf32, #tpu.memory_space<hbm>>) target(%arg14 : memref<80x64xf32, #tpu.memory_space<vmem>>) offsets(%arg12 : memref<80xi32, #tpu.memory_space<vmem>>) semaphore(%arg15 : memref<!tpu.dma_semaphore, #tpu.memory_space<semaphore_mem>>)
        %dma_wait3A = arith.constant 0 : i32
        %dma_wait3A_32 = arith.constant 0 : i32
        %dma_wait3A_33 = tpu.memref_slice %arg2[%dma_wait3A, %dma_wait3A_32] : memref<10000x64xf32, #tpu.memory_space<hbm>> -> memref<10000x64xf32, #tpu.memory_space<hbm>>
        tpu.wait_indirect_dma semaphore(%arg15 : memref<!tpu.dma_semaphore, #tpu.memory_space<semaphore_mem>>) src(%dma_wait3A_33 : memref<10000x64xf32, #tpu.memory_space<hbm>>) dst(%arg14 : memref<80x64xf32, #tpu.memory_space<vmem>>)
        "tpu.region"() ({
          %run_scoped3A = tpu.sem_alloc : memref<!tpu.dma_semaphore, #tpu.memory_space<semaphore_mem>>
          %dma_start3A_34 = arith.constant 0 : i32
          %dma_start3A_35 = arith.constant 0 : i32
          %dma_start3A_36 = tpu.memref_slice %arg11[%dma_start3A_34, %dma_start3A_35] : memref<10240x64xf32, #tpu.memory_space<vmem_shared>> -> memref<10240x64xf32, #tpu.memory_space<vmem_shared>>
          tpu.enqueue_indirect_dma source(%arg14 : memref<80x64xf32, #tpu.memory_space<vmem>>) target(%dma_start3A_36 : memref<10240x64xf32, #tpu.memory_space<vmem_shared>>) offsets(%arg13 : memref<80xi32, #tpu.memory_space<vmem>>) semaphore(%run_scoped3A : memref<!tpu.dma_semaphore, #tpu.memory_space<semaphore_mem>>) {add = true}
          %dma_wait3A_37 = arith.constant 0 : i32
          %dma_wait3A_38 = arith.constant 0 : i32
          %dma_wait3A_39 = tpu.memref_slice %arg11[%dma_wait3A_37, %dma_wait3A_38] : memref<10240x64xf32, #tpu.memory_space<vmem_shared>> -> memref<10240x64xf32, #tpu.memory_space<vmem_shared>>
          tpu.wait_indirect_dma semaphore(%run_scoped3A : memref<!tpu.dma_semaphore, #tpu.memory_space<semaphore_mem>>) src(%arg14 : memref<80x64xf32, #tpu.memory_space<vmem>>) dst(%dma_wait3A_39 : memref<10240x64xf32, #tpu.memory_space<vmem_shared>>)
          tpu.yield
        }) : () -> ()
      }
      %scan3A_23 = arith.constant 250 : i32
    } else {
    }
    %eq3A_3 = arith.constant 1 : i32
    %eq3A_4 = arith.cmpi eq, %arg0, %eq3A_3 : i32
    %convert_element_type3A_5 = arith.extui %eq3A_4 : i1 to i32
    %cond3A_6 = arith.constant 0 : i32
    %cond3A_7 = arith.cmpi ne, %convert_element_type3A_5, %cond3A_6 : i32
    scf.if %cond3A_7 {
      %scan3A = arith.constant 0 : i32
      %scan3A_19 = arith.constant 0 : i32
      %scan3A_20 = arith.constant 250 : i32
      %scan3A_21 = arith.addi %scan3A_19, %scan3A_20 : i32
      %scan3A_22 = arith.constant 1 : i32
      scf.for %scan3A_24 = %scan3A_19 to %scan3A_21 step %scan3A_22  : i32 {
        %mul3A_25 = arith.constant 20000 : i32
        %mul3A_26 = arith.muli %arg1, %mul3A_25 : i32
        %mul3A_27 = arith.constant 80 : i32
        %mul3A_28 = arith.muli %scan3A_24, %mul3A_27 : i32
        %add3A = arith.addi %mul3A_26, %mul3A_28 : i32
        %multiple_of3A_29 = tpu.assume_multiple %add3A, 8 : i32
        "tpu.region"() ({
          %run_scoped3A = tpu.sem_alloc : memref<!tpu.dma_semaphore, #tpu.memory_space<semaphore_mem>>
          %dma_start3A_34 = tpu.memref_slice %arg6[%multiple_of3A_29] : memref<320000xi32, #tpu.memory_space<hbm>> -> memref<80xi32, #tpu.memory_space<hbm>>
          %dma_start3A_35 = tpu.memref_slice %arg6[%multiple_of3A_29] : memref<320000xi32, #tpu.memory_space<hbm>> -> memref<80xi32, #tpu.memory_space<hbm>>
          tpu.enqueue_dma source(%dma_start3A_35 : memref<80xi32, #tpu.memory_space<hbm>>) target(%arg12 : memref<80xi32, #tpu.memory_space<vmem>>) target_semaphore(%run_scoped3A : memref<!tpu.dma_semaphore, #tpu.memory_space<semaphore_mem>>)
          %dma_wait3A_36 = tpu.memref_slice %arg6[%multiple_of3A_29] : memref<320000xi32, #tpu.memory_space<hbm>> -> memref<80xi32, #tpu.memory_space<hbm>>
          %dma_wait3A_37 = tpu.memref_slice %arg6[%multiple_of3A_29] : memref<320000xi32, #tpu.memory_space<hbm>> -> memref<80xi32, #tpu.memory_space<hbm>>
          tpu.wait_dma2 semaphore(%run_scoped3A : memref<!tpu.dma_semaphore, #tpu.memory_space<semaphore_mem>>) src(%dma_wait3A_37 : memref<80xi32, #tpu.memory_space<hbm>>) dst(%arg12 : memref<80xi32, #tpu.memory_space<vmem>>)
          tpu.yield
        }) : () -> ()
        "tpu.region"() ({
          %run_scoped3A = tpu.sem_alloc : memref<!tpu.dma_semaphore, #tpu.memory_space<semaphore_mem>>
          %dma_start3A_34 = tpu.memref_slice %arg7[%multiple_of3A_29] : memref<320000xi32, #tpu.memory_space<hbm>> -> memref<80xi32, #tpu.memory_space<hbm>>
          %dma_start3A_35 = tpu.memref_slice %arg7[%multiple_of3A_29] : memref<320000xi32, #tpu.memory_space<hbm>> -> memref<80xi32, #tpu.memory_space<hbm>>
          tpu.enqueue_dma source(%dma_start3A_35 : memref<80xi32, #tpu.memory_space<hbm>>) target(%arg13 : memref<80xi32, #tpu.memory_space<vmem>>) target_semaphore(%run_scoped3A : memref<!tpu.dma_semaphore, #tpu.memory_space<semaphore_mem>>)
          %dma_wait3A_36 = tpu.memref_slice %arg7[%multiple_of3A_29] : memref<320000xi32, #tpu.memory_space<hbm>> -> memref<80xi32, #tpu.memory_space<hbm>>
          %dma_wait3A_37 = tpu.memref_slice %arg7[%multiple_of3A_29] : memref<320000xi32, #tpu.memory_space<hbm>> -> memref<80xi32, #tpu.memory_space<hbm>>
          tpu.wait_dma2 semaphore(%run_scoped3A : memref<!tpu.dma_semaphore, #tpu.memory_space<semaphore_mem>>) src(%dma_wait3A_37 : memref<80xi32, #tpu.memory_space<hbm>>) dst(%arg13 : memref<80xi32, #tpu.memory_space<vmem>>)
          tpu.yield
        }) : () -> ()
        %dma_start3A = arith.constant 0 : i32
        %dma_start3A_30 = arith.constant 0 : i32
        %dma_start3A_31 = tpu.memref_slice %arg3[%dma_start3A, %dma_start3A_30] : memref<10000x64xf32, #tpu.memory_space<hbm>> -> memref<10000x64xf32, #tpu.memory_space<hbm>>
        tpu.enqueue_indirect_dma source(%dma_start3A_31 : memref<10000x64xf32, #tpu.memory_space<hbm>>) target(%arg14 : memref<80x64xf32, #tpu.memory_space<vmem>>) offsets(%arg12 : memref<80xi32, #tpu.memory_space<vmem>>) semaphore(%arg15 : memref<!tpu.dma_semaphore, #tpu.memory_space<semaphore_mem>>)
        %dma_wait3A = arith.constant 0 : i32
        %dma_wait3A_32 = arith.constant 0 : i32
        %dma_wait3A_33 = tpu.memref_slice %arg3[%dma_wait3A, %dma_wait3A_32] : memref<10000x64xf32, #tpu.memory_space<hbm>> -> memref<10000x64xf32, #tpu.memory_space<hbm>>
        tpu.wait_indirect_dma semaphore(%arg15 : memref<!tpu.dma_semaphore, #tpu.memory_space<semaphore_mem>>) src(%dma_wait3A_33 : memref<10000x64xf32, #tpu.memory_space<hbm>>) dst(%arg14 : memref<80x64xf32, #tpu.memory_space<vmem>>)
        "tpu.region"() ({
          %run_scoped3A = tpu.sem_alloc : memref<!tpu.dma_semaphore, #tpu.memory_space<semaphore_mem>>
          %dma_start3A_34 = arith.constant 0 : i32
          %dma_start3A_35 = arith.constant 0 : i32
          %dma_start3A_36 = tpu.memref_slice %arg11[%dma_start3A_34, %dma_start3A_35] : memref<10240x64xf32, #tpu.memory_space<vmem_shared>> -> memref<10240x64xf32, #tpu.memory_space<vmem_shared>>
          tpu.enqueue_indirect_dma source(%arg14 : memref<80x64xf32, #tpu.memory_space<vmem>>) target(%dma_start3A_36 : memref<10240x64xf32, #tpu.memory_space<vmem_shared>>) offsets(%arg13 : memref<80xi32, #tpu.memory_space<vmem>>) semaphore(%run_scoped3A : memref<!tpu.dma_semaphore, #tpu.memory_space<semaphore_mem>>) {add = true}
          %dma_wait3A_37 = arith.constant 0 : i32
          %dma_wait3A_38 = arith.constant 0 : i32
          %dma_wait3A_39 = tpu.memref_slice %arg11[%dma_wait3A_37, %dma_wait3A_38] : memref<10240x64xf32, #tpu.memory_space<vmem_shared>> -> memref<10240x64xf32, #tpu.memory_space<vmem_shared>>
          tpu.wait_indirect_dma semaphore(%run_scoped3A : memref<!tpu.dma_semaphore, #tpu.memory_space<semaphore_mem>>) src(%arg14 : memref<80x64xf32, #tpu.memory_space<vmem>>) dst(%dma_wait3A_39 : memref<10240x64xf32, #tpu.memory_space<vmem_shared>>)
          tpu.yield
        }) : () -> ()
      }
      %scan3A_23 = arith.constant 250 : i32
    } else {
    }
    %barrier3A_8 = arith.constant 0 : index
    tpu.barrier barrier_id(%barrier3A_8)
    %eq3A_9 = arith.constant 0 : i32
    %eq3A_10 = arith.cmpi eq, %arg0, %eq3A_9 : i32
    %convert_element_type3A_11 = arith.extui %eq3A_10 : i1 to i32
    %cond3A_12 = arith.constant 0 : i32
    %cond3A_13 = arith.cmpi ne, %convert_element_type3A_11, %cond3A_12 : i32
    scf.if %cond3A_13 {
      "tpu.region"() ({
        %run_scoped3A = tpu.sem_alloc : memref<!tpu.dma_semaphore, #tpu.memory_space<semaphore_mem>>
        %dma_start3A = arith.constant 0 : i32
        %dma_start3A_19 = tpu.memref_slice %arg9[%multiple_of3A, %dma_start3A] : memref<10240x64xf32, #tpu.memory_space<hbm>> -> memref<640x64xf32, #tpu.memory_space<hbm>>
        %dma_start3A_20 = arith.constant 0 : i32
        %dma_start3A_21 = tpu.memref_slice %arg11[%multiple_of3A, %dma_start3A_20] : memref<10240x64xf32, #tpu.memory_space<vmem_shared>> -> memref<640x64xf32, #tpu.memory_space<vmem_shared>>
        tpu.enqueue_dma source(%dma_start3A_21 : memref<640x64xf32, #tpu.memory_space<vmem_shared>>) target(%dma_start3A_19 : memref<640x64xf32, #tpu.memory_space<hbm>>) target_semaphore(%run_scoped3A : memref<!tpu.dma_semaphore, #tpu.memory_space<semaphore_mem>>)
        %dma_wait3A = arith.constant 0 : i32
        %dma_wait3A_22 = tpu.memref_slice %arg9[%multiple_of3A, %dma_wait3A] : memref<10240x64xf32, #tpu.memory_space<hbm>> -> memref<640x64xf32, #tpu.memory_space<hbm>>
        %dma_wait3A_23 = arith.constant 0 : i32
        %dma_wait3A_24 = tpu.memref_slice %arg11[%multiple_of3A, %dma_wait3A_23] : memref<10240x64xf32, #tpu.memory_space<vmem_shared>> -> memref<640x64xf32, #tpu.memory_space<vmem_shared>>
        tpu.wait_dma2 semaphore(%run_scoped3A : memref<!tpu.dma_semaphore, #tpu.memory_space<semaphore_mem>>) src(%dma_wait3A_24 : memref<640x64xf32, #tpu.memory_space<vmem_shared>>) dst(%dma_wait3A_22 : memref<640x64xf32, #tpu.memory_space<hbm>>)
        tpu.yield
      }) : () -> ()
    } else {
    }
    %eq3A_14 = arith.constant 1 : i32
    %eq3A_15 = arith.cmpi eq, %arg0, %eq3A_14 : i32
    %convert_element_type3A_16 = arith.extui %eq3A_15 : i1 to i32
    %cond3A_17 = arith.constant 0 : i32
    %cond3A_18 = arith.cmpi ne, %convert_element_type3A_16, %cond3A_17 : i32
    scf.if %cond3A_18 {
      "tpu.region"() ({
        %run_scoped3A = tpu.sem_alloc : memref<!tpu.dma_semaphore, #tpu.memory_space<semaphore_mem>>
        %dma_start3A = arith.constant 0 : i32
        %dma_start3A_19 = tpu.memref_slice %arg10[%multiple_of3A, %dma_start3A] : memref<10240x64xf32, #tpu.memory_space<hbm>> -> memref<640x64xf32, #tpu.memory_space<hbm>>
        %dma_start3A_20 = arith.constant 0 : i32
        %dma_start3A_21 = tpu.memref_slice %arg11[%multiple_of3A, %dma_start3A_20] : memref<10240x64xf32, #tpu.memory_space<vmem_shared>> -> memref<640x64xf32, #tpu.memory_space<vmem_shared>>
        tpu.enqueue_dma source(%dma_start3A_21 : memref<640x64xf32, #tpu.memory_space<vmem_shared>>) target(%dma_start3A_19 : memref<640x64xf32, #tpu.memory_space<hbm>>) target_semaphore(%run_scoped3A : memref<!tpu.dma_semaphore, #tpu.memory_space<semaphore_mem>>)
        %dma_wait3A = arith.constant 0 : i32
        %dma_wait3A_22 = tpu.memref_slice %arg10[%multiple_of3A, %dma_wait3A] : memref<10240x64xf32, #tpu.memory_space<hbm>> -> memref<640x64xf32, #tpu.memory_space<hbm>>
        %dma_wait3A_23 = arith.constant 0 : i32
        %dma_wait3A_24 = tpu.memref_slice %arg11[%multiple_of3A, %dma_wait3A_23] : memref<10240x64xf32, #tpu.memory_space<vmem_shared>> -> memref<640x64xf32, #tpu.memory_space<vmem_shared>>
        tpu.wait_dma2 semaphore(%run_scoped3A : memref<!tpu.dma_semaphore, #tpu.memory_space<semaphore_mem>>) src(%dma_wait3A_24 : memref<640x64xf32, #tpu.memory_space<vmem_shared>>) dst(%dma_wait3A_22 : memref<640x64xf32, #tpu.memory_space<hbm>>)
        tpu.yield
      }) : () -> ()
    } else {
    }
    return
  }
}

module attributes {stable_mosaic.version = 14 : i64} {
  func.func @_proj_body(%arg0: i32, %arg1: memref<1000x128xf32, #tpu.memory_space<vmem>>, %arg2: memref<1000x128xf32, #tpu.memory_space<vmem>>, %arg3: memref<128x64xf32, #tpu.memory_space<vmem>>, %arg4: memref<1x64xf32, #tpu.memory_space<vmem>>, %arg5: memref<128x64xf32, #tpu.memory_space<vmem>>, %arg6: memref<1x64xf32, #tpu.memory_space<vmem>>, %arg7: memref<1000x64xf32, #tpu.memory_space<vmem>>, %arg8: memref<1000x64xf32, #tpu.memory_space<vmem>>) attributes {dimension_semantics = [#tpu.dimension_semantics<arbitrary>], iteration_bounds = array<i64: 10>, scalar_prefetch = 0 : i64, scratch_operands = 0 : i64, tpu.core_type = #tpu.core_type<tc>, window_params = [{transform_indices = @transform_0, window_bounds = array<i64: 1000, 128>}, {transform_indices = @transform_1, window_bounds = array<i64: 1000, 128>}, {pipeline_mode = #tpu.pipeline_mode<synchronous>, transform_indices = @transform_2, window_bounds = array<i64: 128, 64>}, {pipeline_mode = #tpu.pipeline_mode<synchronous>, transform_indices = @transform_3, window_bounds = array<i64: 1, 64>}, {pipeline_mode = #tpu.pipeline_mode<synchronous>, transform_indices = @transform_4, window_bounds = array<i64: 128, 64>}, {pipeline_mode = #tpu.pipeline_mode<synchronous>, transform_indices = @transform_5, window_bounds = array<i64: 1, 64>}, {transform_indices = @transform_6, window_bounds = array<i64: 1000, 64>}, {transform_indices = @transform_7, window_bounds = array<i64: 1000, 64>}]} {
    %get3A = arith.constant 0 : index
    %get3A_0 = arith.constant 0 : index
    %get3A_1 = vector.load %arg1[%get3A, %get3A_0] : memref<1000x128xf32, #tpu.memory_space<vmem>>, vector<1000x128xf32>
    %get3A_2 = arith.constant 0 : index
    %get3A_3 = arith.constant 0 : index
    %get3A_4 = vector.load %arg3[%get3A_2, %get3A_3] : memref<128x64xf32, #tpu.memory_space<vmem>>, vector<128x64xf32>
    %dot_general3A = arith.constant dense<0.000000e+00> : vector<1000x64xf32>
    %dot_general3A_5 = tpu.matmul %get3A_1, %get3A_4, %dot_general3A {dimension_numbers = #tpu.dot_dimension_numbers<[1], [0], [0], [1], [0, 0, 1, 1], [], []>, transpose_lhs_hint = false} : vector<1000x128xf32>, vector<128x64xf32>, vector<1000x64xf32> -> vector<1000x64xf32>
    %get3A_6 = arith.constant 0 : index
    %get3A_7 = arith.constant 0 : index
    %get3A_8 = vector.load %arg4[%get3A_6, %get3A_7] : memref<1x64xf32, #tpu.memory_space<vmem>>, vector<1x64xf32>
    %add3A = vector.broadcast %get3A_8 : vector<1x64xf32> to vector<1000x64xf32>
    %add3A_9 = arith.addf %dot_general3A_5, %add3A : vector<1000x64xf32>
    %max3A = arith.constant 0.000000e+00 : f32
    %max3A_10 = vector.broadcast %max3A : f32 to vector<1000x64xf32>
    %max3A_11 = arith.maximumf %add3A_9, %max3A_10 : vector<1000x64xf32>
    %swap3A = arith.constant 0 : index
    %swap3A_12 = arith.constant 0 : index
    %swap3A_13 = vector.load %arg7[%swap3A, %swap3A_12] : memref<1000x64xf32, #tpu.memory_space<vmem>>, vector<1000x64xf32>
    tpu.vector_store %arg7[%swap3A, %swap3A_12], %max3A_11 {strides = array<i32>} : memref<1000x64xf32, #tpu.memory_space<vmem>>, vector<1000x64xf32>,
    %get3A_14 = arith.constant 0 : index
    %get3A_15 = arith.constant 0 : index
    %get3A_16 = vector.load %arg2[%get3A_14, %get3A_15] : memref<1000x128xf32, #tpu.memory_space<vmem>>, vector<1000x128xf32>
    %get3A_17 = arith.constant 0 : index
    %get3A_18 = arith.constant 0 : index
    %get3A_19 = vector.load %arg5[%get3A_17, %get3A_18] : memref<128x64xf32, #tpu.memory_space<vmem>>, vector<128x64xf32>
    %dot_general3A_20 = arith.constant dense<0.000000e+00> : vector<1000x64xf32>
    %dot_general3A_21 = tpu.matmul %get3A_16, %get3A_19, %dot_general3A_20 {dimension_numbers = #tpu.dot_dimension_numbers<[1], [0], [0], [1], [0, 0, 1, 1], [], []>, transpose_lhs_hint = false} : vector<1000x128xf32>, vector<128x64xf32>, vector<1000x64xf32> -> vector<1000x64xf32>
    %get3A_22 = arith.constant 0 : index
    %get3A_23 = arith.constant 0 : index
    %get3A_24 = vector.load %arg6[%get3A_22, %get3A_23] : memref<1x64xf32, #tpu.memory_space<vmem>>, vector<1x64xf32>
    %add3A_25 = vector.broadcast %get3A_24 : vector<1x64xf32> to vector<1000x64xf32>
    %add3A_26 = arith.addf %dot_general3A_21, %add3A_25 : vector<1000x64xf32>
    %max3A_27 = arith.constant 0.000000e+00 : f32
    %max3A_28 = vector.broadcast %max3A_27 : f32 to vector<1000x64xf32>
    %max3A_29 = arith.maximumf %add3A_26, %max3A_28 : vector<1000x64xf32>
    %swap3A_30 = arith.constant 0 : index
    %swap3A_31 = arith.constant 0 : index
    %swap3A_32 = vector.load %arg8[%swap3A_30, %swap3A_31] : memref<1000x64xf32, #tpu.memory_space<vmem>>, vector<1000x64xf32>
    tpu.vector_store %arg8[%swap3A_30, %swap3A_31], %max3A_29 {strides = array<i32>} : memref<1000x64xf32, #tpu.memory_space<vmem>>, vector<1000x64xf32>,
    return
  }
  func.func @transform_0(%arg0: i32) -> (i32, i32) {
    %c0_i32 = arith.constant 0 : i32
    %c0_i32_0 = arith.constant 0 : i32
    return %arg0, %c0_i32 : i32, i32
  }
  func.func @transform_1(%arg0: i32) -> (i32, i32) {
    %c0_i32 = arith.constant 0 : i32
    %c0_i32_0 = arith.constant 0 : i32
    return %arg0, %c0_i32 : i32, i32
  }
  func.func @transform_2(%arg0: i32) -> (i32, i32) {
    %c0_i32 = arith.constant 0 : i32
    %c0_i32_0 = arith.constant 0 : i32
    %c0_i32_1 = arith.constant 0 : i32
    return %c0_i32, %c0_i32_0 : i32, i32
  }
  func.func @transform_3(%arg0: i32) -> (i32, i32) {
    %c0_i32 = arith.constant 0 : i32
    %c0_i32_0 = arith.constant 0 : i32
    %c0_i32_1 = arith.constant 0 : i32
    return %c0_i32, %c0_i32_0 : i32, i32
  }
  func.func @transform_4(%arg0: i32) -> (i32, i32) {
    %c0_i32 = arith.constant 0 : i32
    %c0_i32_0 = arith.constant 0 : i32
    %c0_i32_1 = arith.constant 0 : i32
    return %c0_i32, %c0_i32_0 : i32, i32
  }
  func.func @transform_5(%arg0: i32) -> (i32, i32) {
    %c0_i32 = arith.constant 0 : i32
    %c0_i32_0 = arith.constant 0 : i32
    %c0_i32_1 = arith.constant 0 : i32
    return %c0_i32, %c0_i32_0 : i32, i32
  }
  func.func @transform_6(%arg0: i32) -> (i32, i32) {
    %c0_i32 = arith.constant 0 : i32
    %c0_i32_0 = arith.constant 0 : i32
    return %arg0, %c0_i32 : i32, i32
  }
  func.func @transform_7(%arg0: i32) -> (i32, i32) {
    %c0_i32 = arith.constant 0 : i32
    %c0_i32_0 = arith.constant 0 : i32
    return %arg0, %c0_i32 : i32, i32
  }
}

module attributes {stable_mosaic.version = 14 : i64} {
  func.func @_layer_body(%arg0: i32, %arg1: memref<1000x64xf32, #tpu.memory_space<vmem>>, %arg2: memref<1000x64xf32, #tpu.memory_space<vmem>>, %arg3: memref<1000x64xf32, #tpu.memory_space<vmem>>, %arg4: memref<1000x64xf32, #tpu.memory_space<vmem>>, %arg5: memref<1000x16xf32, #tpu.memory_space<vmem>>, %arg6: memref<1000x16xf32, #tpu.memory_space<vmem>>, %arg7: memref<64x64xf32, #tpu.memory_space<vmem>>, %arg8: memref<1x64xf32, #tpu.memory_space<vmem>>, %arg9: memref<64x64xf32, #tpu.memory_space<vmem>>, %arg10: memref<64x64xf32, #tpu.memory_space<vmem>>, %arg11: memref<1x64xf32, #tpu.memory_space<vmem>>, %arg12: memref<64x64xf32, #tpu.memory_space<vmem>>, %arg13: memref<1000x64xf32, #tpu.memory_space<vmem>>, %arg14: memref<1000x64xf32, #tpu.memory_space<vmem>>) attributes {dimension_semantics = [#tpu.dimension_semantics<arbitrary>], iteration_bounds = array<i64: 10>, scalar_prefetch = 0 : i64, scratch_operands = 0 : i64, tpu.core_type = #tpu.core_type<tc>, window_params = [{transform_indices = @transform_0, window_bounds = array<i64: 1000, 64>}, {transform_indices = @transform_1, window_bounds = array<i64: 1000, 64>}, {transform_indices = @transform_2, window_bounds = array<i64: 1000, 64>}, {transform_indices = @transform_3, window_bounds = array<i64: 1000, 64>}, {transform_indices = @transform_4, window_bounds = array<i64: 1000, 16>}, {transform_indices = @transform_5, window_bounds = array<i64: 1000, 16>}, {pipeline_mode = #tpu.pipeline_mode<synchronous>, transform_indices = @transform_6, window_bounds = array<i64: 64, 64>}, {pipeline_mode = #tpu.pipeline_mode<synchronous>, transform_indices = @transform_7, window_bounds = array<i64: 1, 64>}, {pipeline_mode = #tpu.pipeline_mode<synchronous>, transform_indices = @transform_8, window_bounds = array<i64: 64, 64>}, {pipeline_mode = #tpu.pipeline_mode<synchronous>, transform_indices = @transform_9, window_bounds = array<i64: 64, 64>}, {pipeline_mode = #tpu.pipeline_mode<synchronous>, transform_indices = @transform_10, window_bounds = array<i64: 1, 64>}, {pipeline_mode = #tpu.pipeline_mode<synchronous>, transform_indices = @transform_11, window_bounds = array<i64: 64, 64>}, {transform_indices = @transform_12, window_bounds = array<i64: 1000, 64>}, {transform_indices = @transform_13, window_bounds = array<i64: 1000, 64>}]} {
    %get3A = arith.constant 0 : index
    %get3A_0 = arith.constant 0 : index
    %get3A_1 = vector.load %arg5[%get3A, %get3A_0] : memref<1000x16xf32, #tpu.memory_space<vmem>>, vector<1000x1xf32>
    %max3A = arith.constant 1.000000e+00 : f32
    %max3A_2 = vector.broadcast %max3A : f32 to vector<1000x1xf32>
    %max3A_3 = arith.maximumf %get3A_1, %max3A_2 : vector<1000x1xf32>
    %div3A = arith.constant 1.000000e+00 : f32
    %div3A_4 = vector.broadcast %div3A : f32 to vector<1000x1xf32>
    %div3A_5 = arith.divf %div3A_4, %max3A_3 : vector<1000x1xf32>
    %get3A_6 = arith.constant 0 : index
    %get3A_7 = arith.constant 0 : index
    %get3A_8 = vector.load %arg6[%get3A_6, %get3A_7] : memref<1000x16xf32, #tpu.memory_space<vmem>>, vector<1000x1xf32>
    %max3A_9 = arith.constant 1.000000e+00 : f32
    %max3A_10 = vector.broadcast %max3A_9 : f32 to vector<1000x1xf32>
    %max3A_11 = arith.maximumf %get3A_8, %max3A_10 : vector<1000x1xf32>
    %div3A_12 = arith.constant 1.000000e+00 : f32
    %div3A_13 = vector.broadcast %div3A_12 : f32 to vector<1000x1xf32>
    %div3A_14 = arith.divf %div3A_13, %max3A_11 : vector<1000x1xf32>
    %get3A_15 = arith.constant 0 : index
    %get3A_16 = arith.constant 0 : index
    %get3A_17 = vector.load %arg3[%get3A_15, %get3A_16] : memref<1000x64xf32, #tpu.memory_space<vmem>>, vector<1000x64xf32>
    %mul3A = vector.broadcast %div3A_5 : vector<1000x1xf32> to vector<1000x64xf32>
    %mul3A_18 = arith.mulf %get3A_17, %mul3A : vector<1000x64xf32>
    %get3A_19 = arith.constant 0 : index
    %get3A_20 = arith.constant 0 : index
    %get3A_21 = vector.load %arg7[%get3A_19, %get3A_20] : memref<64x64xf32, #tpu.memory_space<vmem>>, vector<64x64xf32>
    %dot_general3A = arith.constant dense<0.000000e+00> : vector<1000x64xf32>
    %dot_general3A_22 = tpu.matmul %mul3A_18, %get3A_21, %dot_general3A {dimension_numbers = #tpu.dot_dimension_numbers<[1], [0], [0], [1], [0, 0, 1, 1], [], []>, transpose_lhs_hint = false} : vector<1000x64xf32>, vector<64x64xf32>, vector<1000x64xf32> -> vector<1000x64xf32>
    %get3A_23 = arith.constant 0 : index
    %get3A_24 = arith.constant 0 : index
    %get3A_25 = vector.load %arg8[%get3A_23, %get3A_24] : memref<1x64xf32, #tpu.memory_space<vmem>>, vector<1x64xf32>
    %add3A = vector.broadcast %get3A_25 : vector<1x64xf32> to vector<1000x64xf32>
    %add3A_26 = arith.addf %dot_general3A_22, %add3A : vector<1000x64xf32>
    %get3A_27 = arith.constant 0 : index
    %get3A_28 = arith.constant 0 : index
    %get3A_29 = vector.load %arg2[%get3A_27, %get3A_28] : memref<1000x64xf32, #tpu.memory_space<vmem>>, vector<1000x64xf32>
    %get3A_30 = arith.constant 0 : index
    %get3A_31 = arith.constant 0 : index
    %get3A_32 = vector.load %arg9[%get3A_30, %get3A_31] : memref<64x64xf32, #tpu.memory_space<vmem>>, vector<64x64xf32>
    %dot_general3A_33 = arith.constant dense<0.000000e+00> : vector<1000x64xf32>
    %dot_general3A_34 = tpu.matmul %get3A_29, %get3A_32, %dot_general3A_33 {dimension_numbers = #tpu.dot_dimension_numbers<[1], [0], [0], [1], [0, 0, 1, 1], [], []>, transpose_lhs_hint = false} : vector<1000x64xf32>, vector<64x64xf32>, vector<1000x64xf32> -> vector<1000x64xf32>
    %add3A_35 = arith.addf %add3A_26, %dot_general3A_34 : vector<1000x64xf32>
    %get3A_36 = arith.constant 0 : index
    %get3A_37 = arith.constant 0 : index
    %get3A_38 = vector.load %arg4[%get3A_36, %get3A_37] : memref<1000x64xf32, #tpu.memory_space<vmem>>, vector<1000x64xf32>
    %mul3A_39 = vector.broadcast %div3A_14 : vector<1000x1xf32> to vector<1000x64xf32>
    %mul3A_40 = arith.mulf %get3A_38, %mul3A_39 : vector<1000x64xf32>
    %get3A_41 = arith.constant 0 : index
    %get3A_42 = arith.constant 0 : index
    %get3A_43 = vector.load %arg10[%get3A_41, %get3A_42] : memref<64x64xf32, #tpu.memory_space<vmem>>, vector<64x64xf32>
    %dot_general3A_44 = arith.constant dense<0.000000e+00> : vector<1000x64xf32>
    %dot_general3A_45 = tpu.matmul %mul3A_40, %get3A_43, %dot_general3A_44 {dimension_numbers = #tpu.dot_dimension_numbers<[1], [0], [0], [1], [0, 0, 1, 1], [], []>, transpose_lhs_hint = false} : vector<1000x64xf32>, vector<64x64xf32>, vector<1000x64xf32> -> vector<1000x64xf32>
    %get3A_46 = arith.constant 0 : index
    %get3A_47 = arith.constant 0 : index
    %get3A_48 = vector.load %arg11[%get3A_46, %get3A_47] : memref<1x64xf32, #tpu.memory_space<vmem>>, vector<1x64xf32>
    %add3A_49 = vector.broadcast %get3A_48 : vector<1x64xf32> to vector<1000x64xf32>
    %add3A_50 = arith.addf %dot_general3A_45, %add3A_49 : vector<1000x64xf32>
    %get3A_51 = arith.constant 0 : index
    %get3A_52 = arith.constant 0 : index
    %get3A_53 = vector.load %arg1[%get3A_51, %get3A_52] : memref<1000x64xf32, #tpu.memory_space<vmem>>, vector<1000x64xf32>
    %get3A_54 = arith.constant 0 : index
    %get3A_55 = arith.constant 0 : index
    %get3A_56 = vector.load %arg12[%get3A_54, %get3A_55] : memref<64x64xf32, #tpu.memory_space<vmem>>, vector<64x64xf32>
    %dot_general3A_57 = arith.constant dense<0.000000e+00> : vector<1000x64xf32>
    %dot_general3A_58 = tpu.matmul %get3A_53, %get3A_56, %dot_general3A_57 {dimension_numbers = #tpu.dot_dimension_numbers<[1], [0], [0], [1], [0, 0, 1, 1], [], []>, transpose_lhs_hint = false} : vector<1000x64xf32>, vector<64x64xf32>, vector<1000x64xf32> -> vector<1000x64xf32>
    %add3A_59 = arith.addf %add3A_50, %dot_general3A_58 : vector<1000x64xf32>
    %max3A_60 = arith.constant 0.000000e+00 : f32
    %max3A_61 = vector.broadcast %max3A_60 : f32 to vector<1000x64xf32>
    %max3A_62 = arith.maximumf %add3A_59, %max3A_61 : vector<1000x64xf32>
    %swap3A = arith.constant 0 : index
    %swap3A_63 = arith.constant 0 : index
    %swap3A_64 = vector.load %arg13[%swap3A, %swap3A_63] : memref<1000x64xf32, #tpu.memory_space<vmem>>, vector<1000x64xf32>
    tpu.vector_store %arg13[%swap3A, %swap3A_63], %max3A_62 {strides = array<i32>} : memref<1000x64xf32, #tpu.memory_space<vmem>>, vector<1000x64xf32>,
    %max3A_65 = arith.constant 0.000000e+00 : f32
    %max3A_66 = vector.broadcast %max3A_65 : f32 to vector<1000x64xf32>
    %max3A_67 = arith.maximumf %add3A_35, %max3A_66 : vector<1000x64xf32>
    %swap3A_68 = arith.constant 0 : index
    %swap3A_69 = arith.constant 0 : index
    %swap3A_70 = vector.load %arg14[%swap3A_68, %swap3A_69] : memref<1000x64xf32, #tpu.memory_space<vmem>>, vector<1000x64xf32>
    tpu.vector_store %arg14[%swap3A_68, %swap3A_69], %max3A_67 {strides = array<i32>} : memref<1000x64xf32, #tpu.memory_space<vmem>>, vector<1000x64xf32>,
    return
  }
  func.func @transform_0(%arg0: i32) -> (i32, i32) {
    %c0_i32 = arith.constant 0 : i32
    %c0_i32_0 = arith.constant 0 : i32
    return %arg0, %c0_i32 : i32, i32
  }
  func.func @transform_1(%arg0: i32) -> (i32, i32) {
    %c0_i32 = arith.constant 0 : i32
    %c0_i32_0 = arith.constant 0 : i32
    return %arg0, %c0_i32 : i32, i32
  }
  func.func @transform_2(%arg0: i32) -> (i32, i32) {
    %c0_i32 = arith.constant 0 : i32
    %c0_i32_0 = arith.constant 0 : i32
    return %arg0, %c0_i32 : i32, i32
  }
  func.func @transform_3(%arg0: i32) -> (i32, i32) {
    %c0_i32 = arith.constant 0 : i32
    %c0_i32_0 = arith.constant 0 : i32
    return %arg0, %c0_i32 : i32, i32
  }
  func.func @transform_4(%arg0: i32) -> (i32, i32) {
    %c0_i32 = arith.constant 0 : i32
    %c0_i32_0 = arith.constant 0 : i32
    return %arg0, %c0_i32 : i32, i32
  }
  func.func @transform_5(%arg0: i32) -> (i32, i32) {
    %c0_i32 = arith.constant 0 : i32
    %c0_i32_0 = arith.constant 0 : i32
    return %arg0, %c0_i32 : i32, i32
  }
  func.func @transform_6(%arg0: i32) -> (i32, i32) {
    %c0_i32 = arith.constant 0 : i32
    %c0_i32_0 = arith.constant 0 : i32
    %c0_i32_1 = arith.constant 0 : i32
    return %c0_i32, %c0_i32_0 : i32, i32
  }
  func.func @transform_7(%arg0: i32) -> (i32, i32) {
    %c0_i32 = arith.constant 0 : i32
    %c0_i32_0 = arith.constant 0 : i32
    %c0_i32_1 = arith.constant 0 : i32
    return %c0_i32, %c0_i32_0 : i32, i32
  }
  func.func @transform_8(%arg0: i32) -> (i32, i32) {
    %c0_i32 = arith.constant 0 : i32
    %c0_i32_0 = arith.constant 0 : i32
    %c0_i32_1 = arith.constant 0 : i32
    return %c0_i32, %c0_i32_0 : i32, i32
  }
  func.func @transform_9(%arg0: i32) -> (i32, i32) {
    %c0_i32 = arith.constant 0 : i32
    %c0_i32_0 = arith.constant 0 : i32
    %c0_i32_1 = arith.constant 0 : i32
    return %c0_i32, %c0_i32_0 : i32, i32
  }
  func.func @transform_10(%arg0: i32) -> (i32, i32) {
    %c0_i32 = arith.constant 0 : i32
    %c0_i32_0 = arith.constant 0 : i32
    %c0_i32_1 = arith.constant 0 : i32
    return %c0_i32, %c0_i32_0 : i32, i32
  }
  func.func @transform_11(%arg0: i32) -> (i32, i32) {
    %c0_i32 = arith.constant 0 : i32
    %c0_i32_0 = arith.constant 0 : i32
    %c0_i32_1 = arith.constant 0 : i32
    return %c0_i32, %c0_i32_0 : i32, i32
  }
  func.func @transform_12(%arg0: i32) -> (i32, i32) {
    %c0_i32 = arith.constant 0 : i32
    %c0_i32_0 = arith.constant 0 : i32
    return %arg0, %c0_i32 : i32, i32
  }
  func.func @transform_13(%arg0: i32) -> (i32, i32) {
    %c0_i32 = arith.constant 0 : i32
    %c0_i32_0 = arith.constant 0 : i32
    return %arg0, %c0_i32 : i32, i32
  }
}

module attributes {stable_mosaic.version = 14 : i64} {
  func.func @_final_body(%arg0: i32, %arg1: memref<1000x64xf32, #tpu.memory_space<vmem>>, %arg2: memref<1000x64xf32, #tpu.memory_space<vmem>>, %arg3: memref<1000x16xf32, #tpu.memory_space<vmem>>, %arg4: memref<64x64xf32, #tpu.memory_space<vmem>>, %arg5: memref<1x64xf32, #tpu.memory_space<vmem>>, %arg6: memref<64x64xf32, #tpu.memory_space<vmem>>, %arg7: memref<64x128xf32, #tpu.memory_space<vmem>>, %arg8: memref<1x1xf32, #tpu.memory_space<vmem>>, %arg9: memref<1000x128xf32, #tpu.memory_space<vmem>>) attributes {dimension_semantics = [#tpu.dimension_semantics<arbitrary>], iteration_bounds = array<i64: 10>, scalar_prefetch = 0 : i64, scratch_operands = 0 : i64, tpu.core_type = #tpu.core_type<tc>, window_params = [{transform_indices = @transform_0, window_bounds = array<i64: 1000, 64>}, {transform_indices = @transform_1, window_bounds = array<i64: 1000, 64>}, {transform_indices = @transform_2, window_bounds = array<i64: 1000, 16>}, {pipeline_mode = #tpu.pipeline_mode<synchronous>, transform_indices = @transform_3, window_bounds = array<i64: 64, 64>}, {pipeline_mode = #tpu.pipeline_mode<synchronous>, transform_indices = @transform_4, window_bounds = array<i64: 1, 64>}, {pipeline_mode = #tpu.pipeline_mode<synchronous>, transform_indices = @transform_5, window_bounds = array<i64: 64, 64>}, {pipeline_mode = #tpu.pipeline_mode<synchronous>, transform_indices = @transform_6, window_bounds = array<i64: 64, 128>}, {pipeline_mode = #tpu.pipeline_mode<synchronous>, transform_indices = @transform_7, window_bounds = array<i64: 1, 1>}, {transform_indices = @transform_8, window_bounds = array<i64: 1000, 128>}]} {
    %get3A = arith.constant 0 : index
    %get3A_0 = arith.constant 0 : index
    %get3A_1 = vector.load %arg3[%get3A, %get3A_0] : memref<1000x16xf32, #tpu.memory_space<vmem>>, vector<1000x1xf32>
    %max3A = arith.constant 1.000000e+00 : f32
    %max3A_2 = vector.broadcast %max3A : f32 to vector<1000x1xf32>
    %max3A_3 = arith.maximumf %get3A_1, %max3A_2 : vector<1000x1xf32>
    %div3A = arith.constant 1.000000e+00 : f32
    %div3A_4 = vector.broadcast %div3A : f32 to vector<1000x1xf32>
    %div3A_5 = arith.divf %div3A_4, %max3A_3 : vector<1000x1xf32>
    %get3A_6 = arith.constant 0 : index
    %get3A_7 = arith.constant 0 : index
    %get3A_8 = vector.load %arg2[%get3A_6, %get3A_7] : memref<1000x64xf32, #tpu.memory_space<vmem>>, vector<1000x64xf32>
    %mul3A = vector.broadcast %div3A_5 : vector<1000x1xf32> to vector<1000x64xf32>
    %mul3A_9 = arith.mulf %get3A_8, %mul3A : vector<1000x64xf32>
    %get3A_10 = arith.constant 0 : index
    %get3A_11 = arith.constant 0 : index
    %get3A_12 = vector.load %arg4[%get3A_10, %get3A_11] : memref<64x64xf32, #tpu.memory_space<vmem>>, vector<64x64xf32>
    %dot_general3A = arith.constant dense<0.000000e+00> : vector<1000x64xf32>
    %dot_general3A_13 = tpu.matmul %mul3A_9, %get3A_12, %dot_general3A {dimension_numbers = #tpu.dot_dimension_numbers<[1], [0], [0], [1], [0, 0, 1, 1], [], []>, transpose_lhs_hint = false} : vector<1000x64xf32>, vector<64x64xf32>, vector<1000x64xf32> -> vector<1000x64xf32>
    %get3A_14 = arith.constant 0 : index
    %get3A_15 = arith.constant 0 : index
    %get3A_16 = vector.load %arg5[%get3A_14, %get3A_15] : memref<1x64xf32, #tpu.memory_space<vmem>>, vector<1x64xf32>
    %add3A = vector.broadcast %get3A_16 : vector<1x64xf32> to vector<1000x64xf32>
    %add3A_17 = arith.addf %dot_general3A_13, %add3A : vector<1000x64xf32>
    %get3A_18 = arith.constant 0 : index
    %get3A_19 = arith.constant 0 : index
    %get3A_20 = vector.load %arg1[%get3A_18, %get3A_19] : memref<1000x64xf32, #tpu.memory_space<vmem>>, vector<1000x64xf32>
    %get3A_21 = arith.constant 0 : index
    %get3A_22 = arith.constant 0 : index
    %get3A_23 = vector.load %arg6[%get3A_21, %get3A_22] : memref<64x64xf32, #tpu.memory_space<vmem>>, vector<64x64xf32>
    %dot_general3A_24 = arith.constant dense<0.000000e+00> : vector<1000x64xf32>
    %dot_general3A_25 = tpu.matmul %get3A_20, %get3A_23, %dot_general3A_24 {dimension_numbers = #tpu.dot_dimension_numbers<[1], [0], [0], [1], [0, 0, 1, 1], [], []>, transpose_lhs_hint = false} : vector<1000x64xf32>, vector<64x64xf32>, vector<1000x64xf32> -> vector<1000x64xf32>
    %add3A_26 = arith.addf %add3A_17, %dot_general3A_25 : vector<1000x64xf32>
    %max3A_27 = arith.constant 0.000000e+00 : f32
    %max3A_28 = vector.broadcast %max3A_27 : f32 to vector<1000x64xf32>
    %max3A_29 = arith.maximumf %add3A_26, %max3A_28 : vector<1000x64xf32>
    %get3A_30 = arith.constant 0 : index
    %get3A_31 = arith.constant 0 : index
    %get3A_32 = vector.load %arg7[%get3A_30, %get3A_31] : memref<64x128xf32, #tpu.memory_space<vmem>>, vector<64x128xf32>
    %dot_general3A_33 = arith.constant dense<0.000000e+00> : vector<1000x128xf32>
    %dot_general3A_34 = tpu.matmul %max3A_29, %get3A_32, %dot_general3A_33 {dimension_numbers = #tpu.dot_dimension_numbers<[1], [0], [0], [1], [0, 0, 1, 1], [], []>, transpose_lhs_hint = false} : vector<1000x64xf32>, vector<64x128xf32>, vector<1000x128xf32> -> vector<1000x128xf32>
    %get3A_35 = arith.constant 0 : index
    %get3A_36 = arith.constant 0 : index
    %get3A_37 = vector.load %arg8[%get3A_35, %get3A_36] : memref<1x1xf32, #tpu.memory_space<vmem>>, vector<1x1xf32>
    %add3A_38 = vector.broadcast %get3A_37 : vector<1x1xf32> to vector<1000x128xf32>
    %add3A_39 = arith.addf %dot_general3A_34, %add3A_38 : vector<1000x128xf32>
    %swap3A = arith.constant 0 : index
    %swap3A_40 = arith.constant 0 : index
    %swap3A_41 = vector.load %arg9[%swap3A, %swap3A_40] : memref<1000x128xf32, #tpu.memory_space<vmem>>, vector<1000x128xf32>
    tpu.vector_store %arg9[%swap3A, %swap3A_40], %add3A_39 {strides = array<i32>} : memref<1000x128xf32, #tpu.memory_space<vmem>>, vector<1000x128xf32>,
    return
  }
  func.func @transform_0(%arg0: i32) -> (i32, i32) {
    %c0_i32 = arith.constant 0 : i32
    %c0_i32_0 = arith.constant 0 : i32
    return %arg0, %c0_i32 : i32, i32
  }
  func.func @transform_1(%arg0: i32) -> (i32, i32) {
    %c0_i32 = arith.constant 0 : i32
    %c0_i32_0 = arith.constant 0 : i32
    return %arg0, %c0_i32 : i32, i32
  }
  func.func @transform_2(%arg0: i32) -> (i32, i32) {
    %c0_i32 = arith.constant 0 : i32
    %c0_i32_0 = arith.constant 0 : i32
    return %arg0, %c0_i32 : i32, i32
  }
  func.func @transform_3(%arg0: i32) -> (i32, i32) {
    %c0_i32 = arith.constant 0 : i32
    %c0_i32_0 = arith.constant 0 : i32
    %c0_i32_1 = arith.constant 0 : i32
    return %c0_i32, %c0_i32_0 : i32, i32
  }
  func.func @transform_4(%arg0: i32) -> (i32, i32) {
    %c0_i32 = arith.constant 0 : i32
    %c0_i32_0 = arith.constant 0 : i32
    %c0_i32_1 = arith.constant 0 : i32
    return %c0_i32, %c0_i32_0 : i32, i32
  }
  func.func @transform_5(%arg0: i32) -> (i32, i32) {
    %c0_i32 = arith.constant 0 : i32
    %c0_i32_0 = arith.constant 0 : i32
    %c0_i32_1 = arith.constant 0 : i32
    return %c0_i32, %c0_i32_0 : i32, i32
  }
  func.func @transform_6(%arg0: i32) -> (i32, i32) {
    %c0_i32 = arith.constant 0 : i32
    %c0_i32_0 = arith.constant 0 : i32
    %c0_i32_1 = arith.constant 0 : i32
    return %c0_i32, %c0_i32_0 : i32, i32
  }
  func.func @transform_7(%arg0: i32) -> (i32, i32) {
    %c0_i32 = arith.constant 0 : i32
    %c0_i32_0 = arith.constant 0 : i32
    %c0_i32_1 = arith.constant 0 : i32
    return %c0_i32, %c0_i32_0 : i32, i32
  }
  func.func @transform_8(%arg0: i32) -> (i32, i32) {
    %c0_i32 = arith.constant 0 : i32
    %c0_i32_0 = arith.constant 0 : i32
    return %arg0, %c0_i32 : i32, i32
  }
}

</mosaic_0001>

<sc_bundles>
// kernel: kernel.10.cloned.1.call-start
scs
__scs_entry_jumppad:
0x0: {  	(pc) =	sbr.rel $0x88, $3  }
0x1: {  	(tag) =	ssettag $0x0;
	lr =	simm.s32 $0x1  }
0x2: {  	[smem:$0x3F91] =	sst lr;
	_ =	strace $0xD0000000  }
0x3: {  	_ = 	snop  }
0x4: {  	_ = 	snop  }
0x5: {  	_ = 	snop  }
0x6: {  	_ = 	snop  }
0x7: {  	_ = 	snop  }
__scs_overlays_trampoline_lowered:
0x8: {  	[smem:$0x3FA0] =	sst s0  }
0x9: {  	[smem:$0x3FA1] =	sst s1  }
0xa: {  	[smem:$0x3FA2] =	sst s2  }
0xb: {  	[smem:$0x3FA3] =	sst s3  }
0xc: {  	[smem:$0x3FA4] =	sst s4  }
0xd: {  	[smem:$0x3FA5] =	sst s5  }
0xe: {  	[smem:$0x3FA6] =	sst s6  }
0xf: {  	[smem:$0x3FA7] =	sst s7  }
0x10: {  	[smem:$0x3FA8] =	sst s8  }
0x11: {  	[smem:$0x3FA9] =	sst s9;
	s0 =	simm.s32 @!p0 $0x0  }
0x12: {  	s1 =	sld [smem:$0x3F8F];
	s0 =	simm.s32 @p0 $0x1  }
0x13: {  	[smem:$0x3FAA] =	sst s0;
	s0 =	simm.s32 @!p1 $0x0  }
0x14: {  	s2 =	sld [smem:$0x3F8E];
	s0 =	simm.s32 @p1 $0x1  }
0x15: {  	[smem:$0x3FAB] =	sst s0;
	s0 =	simm.s32 @!p2 $0x0  }
0x16: {  	s3 =	sld [smem:$0x3FDB];
	s0 =	simm.s32 @p2 $0x1  }
0x17: {  	s4 =	simm.s32 $0x1BF5;
	[smem:$0x3FAD] =	sst s0  }
0x18: {  	s0 =	sld [smem:$0x3F90];
	_ =	swait.ge [sflag:s4], $0x0  }
0x19: {  	s7 =	sld [smem:$0x3F91]  }
0x1a: {  	s8 =	sadd.s32 $0xFFFFE003, lr  }
0x1b: {  	s9 =	sadd.s32 $0xFFFFFEF7, lr;
	s5 =	simm.s32 $0xFFFFFFFF;
	p2 =	slt.u32 s8, $0xFFFFF086  }
0x1c: {  	p1 =	slt.u32 s9, $0xF7A;
	s5 =	simm.s32 @!p2 $0x0  }
0x1d: {  	s5 =	simm.s32 @p1 $0x1;
	p0 =	seq.s32 s7, s2  }
0x1e: {  	s7 =	smul.u32 @!p0 $0xF7A, s2;
	p2 =	seq.s32 @!p0 s5, $0x0  }
0x1f: {  	s9 =	smul.u32 $0xF7A, s1;
	s8 =	simm.s32 @!p0 $0x1BF5;
	p2 =	por !p2, p0  }
0x20: {  	[sflag:s8] =	ssyncset.s32 @!p0 $0xFFFFF086;
	s6 =	sadd.s32 @!p0 s3, s7;
	s7 =	simm.s32 @!p0 $0x108  }
0x21: {  	s3 =	sadd.s32 s3, s9;
	s6 =	sadd.s32 @!p0 $0x88, s6;
	s7 =	simm.s32 @p2 $0x1082  }
0x22: {  	[simem:s7], [sflag:s8] =	dma.local @!p0 [hbm:s6], $0xF7A  }
0x23: {  	s9 =	sor.u32 $0xD0000000, s2;
	s6 =	simm.s32 $0x108;
	_ =	swait.ge @!p0 [sflag:s8], $0x0  }
0x24: {  	s3 =	sadd.s32 $0x88, s3;
	s6 =	simm.s32 @!p1 $0x1082;
	[sflag:s4] =	ssyncset.s32 $0xFFFFF086  }
0x25: {  	[simem:s6], [sflag:s4] =	dma.local [hbm:s3], $0xF7A  }
0x26: {  	[smem:$0x3F91] =	sst s1;
	(tag) =	ssettag s2;
	_ =	strace s9  }
0x27: {  	s1 =	sld [smem:$0x3FA1]  }
0x28: {  	s2 =	sld [smem:$0x3FA2]  }
0x29: {  	s4 =	sld [smem:$0x3FA4]  }
0x2a: {  	p0 =	seq.s32 s5, $0x0;
	s5 =	sld [smem:$0x3FA5]  }
0x2b: {  	s6 =	sld [smem:$0x3FA6]  }
0x2c: {  	s7 =	sld [smem:$0x3FA7]  }
0x2d: {  	s3 =	simm.s32 $0x108;
	s8 =	sld [smem:$0x3FA8]  }
0x2e: {  	s3 =	simm.s32 @!p0 $0x1082;
	s9 =	sld [smem:$0x3FA9]  }
0x2f: {  	lr =	sadd.s32 s0, s3;
	s0 =	sld [smem:$0x3FA0]  }
0x30: {  	s3 =	sld [smem:$0x3FA3]  }
0x31: {  	[smem:$0x3FAC] =	sst s10  }
0x32: {  	s10 =	sld [smem:$0x3FAA];
	_ =	sdelay $0x3  }
0x33: {  	p0 =	seq.s32 s10, $0x1;
	s10 =	sld [smem:$0x3FAC];
	_ =	sdelay $0x3  }
0x34: {  	[smem:$0x3FAC] =	sst s10  }
0x35: {  	s10 =	sld [smem:$0x3FAB];
	_ =	sdelay $0x3  }
0x36: {  	p1 =	seq.s32 s10, $0x1;
	s10 =	sld [smem:$0x3FAC];
	_ =	sdelay $0x3  }
0x37: {  	[smem:$0x3FAC] =	sst s10  }
0x38: {  	s10 =	sld [smem:$0x3FAD]  }
0x39: {  	_ = 	snop;
	(pc) =	sbr.ind lr, $3  }
0x3a: {  	_ = 	snop  }
0x3b: {  	_ = 	snop  }
0x3c: {  	p2 =	seq.s32 s10, $0x1;
	s10 =	sld [smem:$0x3FAC]  }
0x3d: {  	_ =	shalt  }
0x3e: {  	_ =	shalt  }
0x3f: {  	_ =	shalt  }
0x40: {  	_ =	shalt  }
0x41: {  	_ =	shalt  }
0x42: {  	_ =	shalt  }
0x43: {  	_ =	shalt  }
0x44: {  	_ =	shalt  }
0x45: {  	_ =	shalt  }
0x46: {  	_ =	shalt  }
0x47: {  	_ =	shalt  }
0x48: {  	_ =	shalt  }
0x49: {  	_ =	shalt  }
0x4a: {  	_ =	shalt  }
0x4b: {  	_ =	shalt  }
0x4c: {  	_ =	shalt  }
0x4d: {  	_ =	shalt  }
0x4e: {  	_ =	shalt  }
0x4f: {  	_ =	shalt  }
0x50: {  	_ =	shalt  }
0x51: {  	_ =	shalt  }
0x52: {  	_ =	shalt  }
0x53: {  	_ =	shalt  }
0x54: {  	_ =	shalt  }
0x55: {  	_ =	shalt  }
0x56: {  	_ =	shalt  }
0x57: {  	_ =	shalt  }
0x58: {  	_ =	shalt  }
0x59: {  	_ =	shalt  }
0x5a: {  	_ =	shalt  }
0x5b: {  	_ =	shalt  }
0x5c: {  	_ =	shalt  }
0x5d: {  	_ =	shalt  }
0x5e: {  	_ =	shalt  }
0x5f: {  	_ =	shalt  }
0x60: {  	_ =	shalt  }
0x61: {  	_ =	shalt  }
0x62: {  	_ =	shalt  }
0x63: {  	_ =	shalt  }
0x64: {  	_ =	shalt  }
0x65: {  	_ =	shalt  }
0x66: {  	_ =	shalt  }
0x67: {  	_ =	shalt  }
0x68: {  	_ =	shalt  }
0x69: {  	_ =	shalt  }
0x6a: {  	_ =	shalt  }
0x6b: {  	_ =	shalt  }
0x6c: {  	_ =	shalt  }
0x6d: {  	_ =	shalt  }
0x6e: {  	_ =	shalt  }
0x6f: {  	_ =	shalt  }
0x70: {  	_ =	shalt  }
0x71: {  	_ =	shalt  }
0x72: {  	_ =	shalt  }
0x73: {  	_ =	shalt  }
0x74: {  	_ =	shalt  }
0x75: {  	_ =	shalt  }
0x76: {  	_ =	shalt  }
0x77: {  	_ =	shalt  }
0x78: {  	_ =	shalt  }
0x79: {  	_ =	shalt  }
0x7a: {  	_ =	shalt  }
0x7b: {  	_ =	shalt  }
0x7c: {  	_ =	shalt  }
0x7d: {  	_ =	shalt  }
0x7e: {  	_ =	shalt  }
0x7f: {  	_ =	shalt  }
0x80: {  	_ =	shalt  }
0x81: {  	_ =	shalt  }
0x82: {  	_ =	shalt  }
0x83: {  	_ =	shalt  }
0x84: {  	_ =	shalt  }
0x85: {  	_ =	shalt  }
0x86: {  	_ =	shalt  }
0x87: {  	_ =	shalt  }
.Lfunc_end0:
.L_simem_size_0:
called_computation_lowered:
.L_overlay_start_0:
0x88: {  	s2 =	sld [smem:$0x3FD9]  }
0x89: {  	s3 =	sld [smem:$0x3FFE];
	_ =	sdelay $0x1  }
0x8a: {  	s1 =	srdreg.scid  }
0x8b: {  	s0 =	sand.u32 $0x1, s1  }
0x8c: {  	s17 =	sshll.u32 s0, $0xA;
	s2 =	sadd.s32 s3, s2  }
0x8d: {  	s2 =	sadd.s32 s2, s17  }
0x8e: {  	[smem:$0x3FB8] =	sst s2  }
0x8f: {  	_ = 	snop  }
0x90: {  	s18 =	sld [smem:$0x3FD0];
	(tm) =	ssettm $0x1  }
0x91: {  	s19 =	sld [smem:$0x3FFB];
	_ =	sdelay $0x3  }
0x92: {  	_ =	strace s19  }
0x93: {  	s2 =	sld [smem:$0x3FFC];
	_ =	sdelay $0x3  }
0x94: {  	_ =	strace s2  }
0x95: {  	s2 =	sld [smem:$0x3FFD];
	_ =	sdelay $0x3  }
0x96: {  	_ =	strace s2  }
0x97: {  	_ =	strace $0x8FFFFFFF  }
0x98: {  	s20 =	sld [smem:$0x3FDB];
	_ =	sdelay $0x1  }
0x99: {  	s4 =	simm.s32 $_scs_section_size  }
0x9a: {  	s5 =	simm.s32 $_size__tile_overlayer_lowered;
	s6 =	simm.s32 $_tile_overlayer_lowered  }
0x9b: {  	s7 =	simm.s32 $0x1BFF;
	s21 =	sshll.u32 s6, $0x1;
	s4 =	sadd.s32 s4, s20  }
0x9c: {  	s22 =	simm.s32 $0x0;
	s5 =	sshll.u32 s5, $0x1;
	s6 =	sadd.s32 s21, s4  }
0x9d: {  	[timem:s22], [sflag:s7] =	dma.local [hbm:s6], s5  }
0x9e: {  	_ =	swait.ge [sflag:s7], s5  }
0x9f: {  	s5 =	ssub.s32 $0x0, s5;
	[sflag:s7] =	ssyncset.done $0x0  }
0xa0: {  	[sflag:s7] =	ssyncadd.s32 s5;
	_ =	sdelay $0x1  }
0xa1: {  	s23 =	simm.s32 $0x1B8B  }
0xa2: {  	_ =	swait.ge [sflag:s23], $0x1  }
0xa3: {  	[sflag:s23] =	ssyncset.done $0x0  }
0xa4: {  	[sflag:s23] =	ssyncadd.s32 $0xFFFFFFFF  }
0xa5: {  	s5 =	sld [smem:$0x0]  }
0xa6: {  	s6 =	sand.u32 $0xFFFFFFFE, s1  }
0xa7: {  	p0 =	sne.s32 s1, s6  }
0xa8: {  	s6 =	sshll.u32 @p0 s6, $0xE  }
0xa9: {  	s6 =	sadd.s32 @p0 $0x11B8D, s6;
	s7 =	sshll.u32 @p0 s5, $0x11  }
0xaa: {  	s6 =	sor.u32 @p0 s7, s6  }
0xab: {  	[sflag:s6] =	ssyncadd.remote.s32 @p0 $0x1;
	_ =	sdelay $0x1  }
0xac: {  	s6 =	simm.s32 @p0 $0x1B8D  }
0xad: {  	_ =	swait.eq @p0 [sflag:s6], $0x1  }
0xae: {  	[sflag:s6] =	ssyncadd.s32 @p0 $0xFFFFFFFF  }
0xaf: {  	s7 =	sshll.u32 @!p0 s1, $0xE  }
0xb0: {  	s7 =	sor.u32 @!p0 $0x4000, s7;
	s6 =	simm.s32 @!p0 $0x1B8D  }
0xb1: {  	s5 =	sshll.u32 @!p0 s5, $0x11;
	s7 =	sadd.s32 @!p0 $0x11B8D, s7;
	_ =	swait.eq @!p0 [sflag:s6], $0x1  }
0xb2: {  	s5 =	sor.u32 @!p0 s5, s7;
	[sflag:s6] =	ssyncadd.s32 @!p0 $0xFFFFFFFF  }
0xb3: {  	s25 =	simm.s32 $0x1B8E;
	s24 =	sld [smem:$0x3FFE];
	[sflag:s5] =	ssyncadd.remote.s32 @!p0 $0x1  }
0xb4: {  	s26 =	simm.s32 $execute0_lowered;
	[smem:$0x3FD2] =	sst s25  }
0xb5: {  	s6 =	sshll.u32 s26, $0x1;
	_ =	strace $0x80000049;
	[dreg:$0x1] =	wrdreg $0xFFFFFFFF  }
0xb6: {  	s28 =	simm.s32 $_size_execute0_lowered;
	s4 =	sadd.s32 s4, s6;
	[dreg:$0x0] =	wrdreg $0x0  }
0xb7: {  	s6 =	sshll.u32 s28, $0x1;
	[dreg:$0x2] =	wrdreg s4  }
0xb8: {  	[dreg:$0x3] =	wrdreg s6  }
0xb9: {  	[dreg:$0x4] =	wrdreg $0xC0  }
0xba: {  	_ =	task [dreg:s22], $0x5FFFF  }
0xbb: {  	[dreg:$0x1] =	wrdreg $0xFFFFFFFF  }
0xbc: {  	[dreg:$0x0] =	wrdreg $0x60  }
0xbd: {  	[dreg:$0x2] =	wrdreg s24  }
0xbe: {  	[dreg:$0x3] =	wrdreg s18  }
0xbf: {  	[dreg:$0x4] =	wrdreg $0x0  }
0xc0: {  	[dreg:$0x5] =	wrdreg $0x9  }
0xc1: {  	_ =	task.clear_ibuf [dreg:s22], $0x6FFFF;
	_ =	strace $0x90000049  }
0xc2: {  	s29 =	simm.s32 $0x9;
	_ =	strace $0x8000004B  }
0xc3: {  	_ =	swait.ge [sflag:s29], $0x1  }
0xc4: {  	[sflag:s29] =	ssyncadd.s32 $0xFFFFFFFF  }
0xc5: {  	_ =	strace $0x9000004B  }
0xc6: {  	_ =	sfence  }
0xc7: {  	s30 =	sld [smem:$0x0];
	_ =	sdelay $0x2  }
0xc8: {  	s31 =	sshll.u32 s1, $0xD;
	s1 =	sshrl.u32 s1, $0x2  }
0xc9: {  	s4 =	sand.u32 $0x4000, s31;
	s1 =	sadd.s32 s1, s30  }
0xca: {  	s0 =	sor.u32 s4, s0;
	s1 =	sshll.u32 s1, $0x11  }
0xcb: {  	s0 =	sor.u32 s1, s0  }
0xcc: {  	s0 =	sadd.s32 $0x8F2B, s0  }
0xcd: {  	[sflag:s0] =	ssyncadd.remote.s32 $0x1  }
0xce: {  	_ =	sfence.sel $0xFFFF  }
0xcf: {  	[dreg:$0x0] =	wrdreg $0xFFFFFFFF;
	(pc) =	sbr.abs _section_cstart, $3  }
0xd0: {  	[dreg:$0x1] =	wrdreg $0xFFFFFFFF  }
0xd1: {  	_ =	task.clear_ibuf [dreg:s22], $0x2FFFF;
	_ =	strace $0x9FFFFFFF  }
0xd2: {  	(tm) =	ssettm $0x7FFFFFFF  }
0xd3: {  	_ =	shalt  }
tec
execute0_lowered:
.L_overlay_start_1:
0x0: {  	(tag) =	ssettag $0x1  }
0x1: {  	s7 =	rddreg [dreg:$0x0]  }
0x2: {  	s2 =	rddreg [dreg:$0x1]  }
0x3: {  	s3 =	rddreg [dreg:$0x2];
	s1 =	stileid.u32  }
0x4: {  	s0 =	rddreg [dreg:$0x3];
	s4 =	simm.s32 $0x0;
	s6 =	srdreg.scid  }
0x5: {  	s15 =	simm.s32 $0x2850;
	s16 =	simm.s32 $0x2800;
	s17 =	simm.s32 $0x50  }
0x6: {  	s18 =	simm.s32 $0x0;
	s5 =	smul.u32 $0x9C4, s1;
	[smem:$0x7FF] =	sst s4  }
0x7: {  	s13 =	sand.u32 $0x1, s6;
	s9 =	smul.u32 $0x2800, s1;
	s6 =	sadd.s32 $0x81800, s7  }
0x8: {  	s31 =	sshll.u32 s1, $0x6;
	_ =	strace $0x8000004A;
	s8 =	ssub.s32 $0x2, s13  }
.Ltmp0:
0x9: {  	p0 =	sne.s32 s13, $0x0;
	s12 =	sadd.s32 s5, s7;
	(pc) =	sbr.rel .LBB2_1-.Ltmp0, $4  }
0xa: {  	s5 =	sadd.s32 $0x7C200, s7;
	s7 =	sadd.s32 $0x7C800, s7;
	s10 =	sshrl.u32 s8, $0x1  }
0xb: {  	s14 =	sadd.s32 s9, s3;
	s9 =	sshrl.u32 s9, $0x3;
	s10 =	ssub.s32 s8, s10  }
0xc: {  	s8 =	sor.u32 $0x1C01, s31;
	s11 =	sadd.s32 $0x4200, s12;
	s12 =	sadd.s32 $0x17E00, s12  }
0xd: {  	s13 =	sshrl.u32 s14, $0x3;
	s14 =	simm.s32 $0x1;
	s10 =	smax.u32 s10, $0x1  }
.LBB2_7:
0xe: {  	s19 =	sadd.s32 s19, s11;
	[sflag:s14] =	ssyncadd.s32 $0xFFFFFB00  }
0xf: {  	[tilespmem:s16], [sflag:$0x1] =	stream.linear.gather [hbm4b:s19+s4], $0x50, $0x38;
	[tilespmem:$0x2D50] =	vst v63  }
0x10: {  	_ =	swait.ge [sflag:s14], $0x50  }
0x11: {  	[sflag:s14] =	ssyncset.done $0x0  }
0x12: {  	[sflag:s14] =	ssyncadd.s32 $0xFFFFFFB0  }
0x13: {  	[spmem:s3] =	stream.indirect.scatter.add.f32 [tilespmem:s15], [sflag:$0x1], $0x10, s16, s17, $0xb8;
	[tilespmem:$0x2D50] =	vst v63  }
0x14: {  	_ =	swait.ge [sflag:s14], $0x500  }
0x15: {  	[sflag:s14] =	ssyncset.done $0x0  }
0x16: {  	s19 =	smov.u32 s7;
	[sflag:s14] =	ssyncadd.s32 $0xFFFFFB00  }
.LBB2_8:
0x17: {  	s18 =	sadd.s32 $0x1, s18  }
0x18: {  	p1 =	sne.s32 s18, s10  }
.Ltmp1:
0x19: {  	s19 =	sadd.s32 s19, s9;
	[bflag:$0x0] =	sbarrier.arrive $0xFFFF;
	(pc) =	sbr.rel @!p1 .LBB2_9-.Ltmp1, $4  }
0x1a: {  	[hbm:s19], [sflag:s8] =	dma.local [spmem:s13], $0x500  }
0x1b: {  	_ =	swait.ge [sflag:s14], $0x500  }
0x1c: {  	[sflag:s14] =	ssyncset.done $0x0  }
0x1d: {  	[sflag:s14] =	ssyncadd.s32 $0xFFFFFB00  }
.LBB2_1:
0x1e: {  	[spmem:s13], [sflag:s8] =	dma.local [hbm:s5], $0x500  }
0x1f: {  	_ =	swait.ge [sflag:s14], $0x500  }
0x20: {  	[sflag:s14] =	ssyncset.done $0x0  }
0x21: {  	[sflag:s14] =	ssyncadd.s32 $0xFFFFFB00  }
0x22: {  	[tilespmem:s15], [sflag:$0x1] =	stream.linear.gather [hbm4b:s2+s4], $0x500, $0x38;
	[tilespmem:$0x2D50] =	vst v63  }
.Ltmp2:
0x23: {  	_ =	swait.ge [sflag:s14], $0x500;
	(pc) =	sbr.rel @p0 .LBB2_5-.Ltmp2, $3  }
0x24: {  	[sflag:s14] =	ssyncset.done $0x0  }
0x25: {  	[sflag:s14] =	ssyncadd.s32 $0xFFFFFB00  }
0x26: {  	[bflag:$0x0] =	sbarrier.arrive $0xFFFF;
	_ =	sdelay $0x1  }
0x27: {  	s19 =	sadd.s32 $0x0, s12  }
0x28: {  	[tilespmem:s16], [sflag:$0x1] =	stream.linear.gather [hbm4b:s19+s4], $0x50, $0x38;
	[tilespmem:$0x2D50] =	vst v63  }
0x29: {  	_ =	swait.ge [sflag:s14], $0x50  }
0x2a: {  	[sflag:s14] =	ssyncset.done $0x0  }
0x2b: {  	[sflag:s14] =	ssyncadd.s32 $0xFFFFFFB0  }
0x2c: {  	[spmem:s3] =	stream.indirect.scatter.add.f32 [tilespmem:s15], [sflag:$0x1], $0x10, s16, s17, $0xb8;
	[tilespmem:$0x2D50] =	vst v63  }
0x2d: {  	_ =	swait.ge [sflag:s14], $0x500  }
0x2e: {  	s20 =	simm.s32 $0x14;
	s19 =	simm.s32 $0xA;
	[sflag:s14] =	ssyncset.done $0x0  }
.LBB2_3:
0x2f: {  	s21 =	sadd.s32 s19, s12  }
0x30: {  	[sflag:s14] =	ssyncadd.s32 $0xFFFFFB00;
	s19 =	smov.u32 s20;
	s22 =	sadd.s32 $0xA, s20  }
0x31: {  	[tilespmem:s16], [sflag:$0x1] =	stream.linear.gather [hbm4b:s21+s4], $0x50, $0x38;
	[tilespmem:$0x2D50] =	vst v63  }
0x32: {  	p1 =	seq.s32 s20, $0x9BA;
	_ =	swait.ge [sflag:s14], $0x50  }
.Ltmp3:
0x33: {  	[sflag:s14] =	ssyncset.done $0x0;
	(pc) =	sbr.rel @!p1 .LBB2_3-.Ltmp3, $4  }
0x34: {  	[sflag:s14] =	ssyncadd.s32 $0xFFFFFFB0  }
0x35: {  	[spmem:s3] =	stream.indirect.scatter.add.f32 [tilespmem:s15], [sflag:$0x1], $0x10, s16, s17, $0xb8;
	[tilespmem:$0x2D50] =	vst v63  }
0x36: {  	_ =	swait.ge [sflag:s14], $0x500  }
0x37: {  	s20 =	smov.u32 s22;
	[sflag:s14] =	ssyncset.done $0x0  }
0x38: {  	s19 =	sadd.s32 s19, s12;
	[sflag:s14] =	ssyncadd.s32 $0xFFFFFB00  }
0x39: {  	[tilespmem:s16], [sflag:$0x1] =	stream.linear.gather [hbm4b:s19+s4], $0x50, $0x38;
	[tilespmem:$0x2D50] =	vst v63  }
0x3a: {  	_ =	swait.ge [sflag:s14], $0x50  }
0x3b: {  	[sflag:s14] =	ssyncset.done $0x0  }
.Ltmp4:
0x3c: {  	[sflag:s14] =	ssyncadd.s32 $0xFFFFFFB0;
	(pc) =	sbr.rel .LBB2_8-.Ltmp4, $4  }
0x3d: {  	[spmem:s3] =	stream.indirect.scatter.add.f32 [tilespmem:s15], [sflag:$0x1], $0x10, s16, s17, $0xb8;
	[tilespmem:$0x2D50] =	vst v63  }
0x3e: {  	_ =	swait.ge [sflag:s14], $0x500  }
0x3f: {  	[sflag:s14] =	ssyncset.done $0x0  }
0x40: {  	s19 =	smov.u32 s6;
	[sflag:s14] =	ssyncadd.s32 $0xFFFFFB00  }
.LBB2_5:
0x41: {  	s19 =	sadd.s32 $0x0, s11  }
0x42: {  	[tilespmem:s16], [sflag:$0x1] =	stream.linear.gather [hbm4b:s19+s4], $0x50, $0x38;
	[tilespmem:$0x2D50] =	vst v63  }
0x43: {  	_ =	swait.ge [sflag:s14], $0x50  }
0x44: {  	[sflag:s14] =	ssyncset.done $0x0  }
0x45: {  	[sflag:s14] =	ssyncadd.s32 $0xFFFFFFB0  }
0x46: {  	[spmem:s3] =	stream.indirect.scatter.add.f32 [tilespmem:s15], [sflag:$0x1], $0x10, s16, s17, $0xb8;
	[tilespmem:$0x2D50] =	vst v63  }
0x47: {  	_ =	swait.ge [sflag:s14], $0x500  }
0x48: {  	s20 =	simm.s32 $0x14;
	s19 =	simm.s32 $0xA;
	[sflag:s14] =	ssyncset.done $0x0  }
.LBB2_6:
0x49: {  	s21 =	sadd.s32 s19, s11  }
0x4a: {  	[sflag:s14] =	ssyncadd.s32 $0xFFFFFB00;
	s19 =	smov.u32 s20;
	s22 =	sadd.s32 $0xA, s20  }
0x4b: {  	[tilespmem:s16], [sflag:$0x1] =	stream.linear.gather [hbm4b:s21+s4], $0x50, $0x38;
	[tilespmem:$0x2D50] =	vst v63  }
0x4c: {  	p1 =	sne.s32 s20, $0x9BA;
	_ =	swait.ge [sflag:s14], $0x50  }
.Ltmp5:
0x4d: {  	[sflag:s14] =	ssyncset.done $0x0;
	(pc) =	sbr.rel @p1 .LBB2_6-.Ltmp5, $4  }
0x4e: {  	[sflag:s14] =	ssyncadd.s32 $0xFFFFFFB0  }
0x4f: {  	[spmem:s3] =	stream.indirect.scatter.add.f32 [tilespmem:s15], [sflag:$0x1], $0x10, s16, s17, $0xb8;
	[tilespmem:$0x2D50] =	vst v63  }
0x50: {  	_ =	swait.ge [sflag:s14], $0x500  }
0x51: {  	s20 =	smov.u32 s22;
	[sflag:s14] =	ssyncset.done $0x0  }
.Ltmp6:
0x52: {  	_ = 	snop;
	(pc) =	sbr.rel .LBB2_7-.Ltmp6, $1  }
0x53: {  	_ =	sdelay $0x3  }
.LBB2_9:
0x54: {  	_ =	sfence.sel $0x180000  }
0x55: {  	[bflag:$0x0] =	sbarrier.arrive $0xFFFF  }
0x56: {  	p0 =	sne.s32 s1, $0x0;
	_ =	strace $0x9000004A  }
0x57: {  	s0 =	sadd.s32 @!p0 $0x100000, s0;
	[bflag:$0x2] =	sbarrier.arrive $0xFFFF  }
0x58: {  	[sflag:s0] =	ssyncadd.tile.s32 @!p0 $0x1;
	_ =	shalt  }
.Lfunc_end2:
_tile_overlayer_lowered:
.L_overlay_start_2:
0x59: {  	(tag) =	ssettag $0x2  }
0x5a: {  	s0 =	rddreg [dreg:$0x0];
	s2 =	stileid.u32  }
0x5b: {  	s1 =	rddreg [dreg:$0x1];
	p0 =	sne.s32 s2, $0x0  }
0x5c: {  	s3 =	rddreg [dreg:$0x2];
	[bflag:$0x3] =	sbarrier.arrive $0xFFFF;
	s2 =	simm.s32 @!p0 $0x1C01  }
0x5d: {  	[timem:s3], [sflag:s2] =	dma.local @!p0 [hbm:s0], s1  }
0x5e: {  	s0 =	simm.s32 @!p0 $0x1  }
0x5f: {  	_ =	swait.ge @!p0 [sflag:s0], s1  }
0x60: {  	s1 =	ssub.s32 @!p0 $0x0, s1;
	[sflag:s0] =	ssyncset.done @!p0 $0x0  }
0x61: {  	[sflag:s0] =	ssyncadd.s32 @!p0 s1  }
0x62: {  	[bflag:$0x3] =	sbarrier.arrive $0xFFFF  }
0x63: {  	_ =	shalt  }

// kernel: kernel.13.cloned.1.call-start
scs
__scs_entry_jumppad:
0x0: {  	(pc) =	sbr.rel $0x88, $3  }
0x1: {  	(tag) =	ssettag $0x0;
	lr =	simm.s32 $0x1  }
0x2: {  	[smem:$0x3F91] =	sst lr;
	_ =	strace $0xD0000000  }
0x3: {  	_ = 	snop  }
0x4: {  	_ = 	snop  }
0x5: {  	_ = 	snop  }
0x6: {  	_ = 	snop  }
0x7: {  	_ = 	snop  }
__scs_overlays_trampoline_lowered:
0x8: {  	[smem:$0x3FA0] =	sst s0  }
0x9: {  	[smem:$0x3FA1] =	sst s1  }
0xa: {  	[smem:$0x3FA2] =	sst s2  }
0xb: {  	[smem:$0x3FA3] =	sst s3  }
0xc: {  	[smem:$0x3FA4] =	sst s4  }
0xd: {  	[smem:$0x3FA5] =	sst s5  }
0xe: {  	[smem:$0x3FA6] =	sst s6  }
0xf: {  	[smem:$0x3FA7] =	sst s7  }
0x10: {  	[smem:$0x3FA8] =	sst s8  }
0x11: {  	[smem:$0x3FA9] =	sst s9;
	s0 =	simm.s32 @!p0 $0x0  }
0x12: {  	s1 =	sld [smem:$0x3F8F];
	s0 =	simm.s32 @p0 $0x1  }
0x13: {  	[smem:$0x3FAA] =	sst s0;
	s0 =	simm.s32 @!p1 $0x0  }
0x14: {  	s2 =	sld [smem:$0x3F8E];
	s0 =	simm.s32 @p1 $0x1  }
0x15: {  	[smem:$0x3FAB] =	sst s0;
	s0 =	simm.s32 @!p2 $0x0  }
0x16: {  	s3 =	sld [smem:$0x3FDB];
	s0 =	simm.s32 @p2 $0x1  }
0x17: {  	s4 =	simm.s32 $0x1BF5;
	[smem:$0x3FAD] =	sst s0  }
0x18: {  	s0 =	sld [smem:$0x3F90];
	_ =	swait.ge [sflag:s4], $0x0  }
0x19: {  	s7 =	sld [smem:$0x3F91]  }
0x1a: {  	s8 =	sadd.s32 $0xFFFFE003, lr  }
0x1b: {  	s9 =	sadd.s32 $0xFFFFFEF7, lr;
	s5 =	simm.s32 $0xFFFFFFFF;
	p2 =	slt.u32 s8, $0xFFFFF086  }
0x1c: {  	p1 =	slt.u32 s9, $0xF7A;
	s5 =	simm.s32 @!p2 $0x0  }
0x1d: {  	s5 =	simm.s32 @p1 $0x1;
	p0 =	seq.s32 s7, s2  }
0x1e: {  	s7 =	smul.u32 @!p0 $0xF7A, s2;
	p2 =	seq.s32 @!p0 s5, $0x0  }
0x1f: {  	s9 =	smul.u32 $0xF7A, s1;
	s8 =	simm.s32 @!p0 $0x1BF5;
	p2 =	por !p2, p0  }
0x20: {  	[sflag:s8] =	ssyncset.s32 @!p0 $0xFFFFF086;
	s6 =	sadd.s32 @!p0 s3, s7;
	s7 =	simm.s32 @!p0 $0x108  }
0x21: {  	s3 =	sadd.s32 s3, s9;
	s6 =	sadd.s32 @!p0 $0x88, s6;
	s7 =	simm.s32 @p2 $0x1082  }
0x22: {  	[simem:s7], [sflag:s8] =	dma.local @!p0 [hbm:s6], $0xF7A  }
0x23: {  	s9 =	sor.u32 $0xD0000000, s2;
	s6 =	simm.s32 $0x108;
	_ =	swait.ge @!p0 [sflag:s8], $0x0  }
0x24: {  	s3 =	sadd.s32 $0x88, s3;
	s6 =	simm.s32 @!p1 $0x1082;
	[sflag:s4] =	ssyncset.s32 $0xFFFFF086  }
0x25: {  	[simem:s6], [sflag:s4] =	dma.local [hbm:s3], $0xF7A  }
0x26: {  	[smem:$0x3F91] =	sst s1;
	(tag) =	ssettag s2;
	_ =	strace s9  }
0x27: {  	s1 =	sld [smem:$0x3FA1]  }
0x28: {  	s2 =	sld [smem:$0x3FA2]  }
0x29: {  	s4 =	sld [smem:$0x3FA4]  }
0x2a: {  	p0 =	seq.s32 s5, $0x0;
	s5 =	sld [smem:$0x3FA5]  }
0x2b: {  	s6 =	sld [smem:$0x3FA6]  }
0x2c: {  	s7 =	sld [smem:$0x3FA7]  }
0x2d: {  	s3 =	simm.s32 $0x108;
	s8 =	sld [smem:$0x3FA8]  }
0x2e: {  	s3 =	simm.s32 @!p0 $0x1082;
	s9 =	sld [smem:$0x3FA9]  }
0x2f: {  	lr =	sadd.s32 s0, s3;
	s0 =	sld [smem:$0x3FA0]  }
0x30: {  	s3 =	sld [smem:$0x3FA3]  }
0x31: {  	[smem:$0x3FAC] =	sst s10  }
0x32: {  	s10 =	sld [smem:$0x3FAA];
	_ =	sdelay $0x3  }
0x33: {  	p0 =	seq.s32 s10, $0x1;
	s10 =	sld [smem:$0x3FAC];
	_ =	sdelay $0x3  }
0x34: {  	[smem:$0x3FAC] =	sst s10  }
0x35: {  	s10 =	sld [smem:$0x3FAB];
	_ =	sdelay $0x3  }
0x36: {  	p1 =	seq.s32 s10, $0x1;
	s10 =	sld [smem:$0x3FAC];
	_ =	sdelay $0x3  }
0x37: {  	[smem:$0x3FAC] =	sst s10  }
0x38: {  	s10 =	sld [smem:$0x3FAD]  }
0x39: {  	_ = 	snop;
	(pc) =	sbr.ind lr, $3  }
0x3a: {  	_ = 	snop  }
0x3b: {  	_ = 	snop  }
0x3c: {  	p2 =	seq.s32 s10, $0x1;
	s10 =	sld [smem:$0x3FAC]  }
0x3d: {  	_ =	shalt  }
0x3e: {  	_ =	shalt  }
0x3f: {  	_ =	shalt  }
0x40: {  	_ =	shalt  }
0x41: {  	_ =	shalt  }
0x42: {  	_ =	shalt  }
0x43: {  	_ =	shalt  }
0x44: {  	_ =	shalt  }
0x45: {  	_ =	shalt  }
0x46: {  	_ =	shalt  }
0x47: {  	_ =	shalt  }
0x48: {  	_ =	shalt  }
0x49: {  	_ =	shalt  }
0x4a: {  	_ =	shalt  }
0x4b: {  	_ =	shalt  }
0x4c: {  	_ =	shalt  }
0x4d: {  	_ =	shalt  }
0x4e: {  	_ =	shalt  }
0x4f: {  	_ =	shalt  }
0x50: {  	_ =	shalt  }
0x51: {  	_ =	shalt  }
0x52: {  	_ =	shalt  }
0x53: {  	_ =	shalt  }
0x54: {  	_ =	shalt  }
0x55: {  	_ =	shalt  }
0x56: {  	_ =	shalt  }
0x57: {  	_ =	shalt  }
0x58: {  	_ =	shalt  }
0x59: {  	_ =	shalt  }
0x5a: {  	_ =	shalt  }
0x5b: {  	_ =	shalt  }
0x5c: {  	_ =	shalt  }
0x5d: {  	_ =	shalt  }
0x5e: {  	_ =	shalt  }
0x5f: {  	_ =	shalt  }
0x60: {  	_ =	shalt  }
0x61: {  	_ =	shalt  }
0x62: {  	_ =	shalt  }
0x63: {  	_ =	shalt  }
0x64: {  	_ =	shalt  }
0x65: {  	_ =	shalt  }
0x66: {  	_ =	shalt  }
0x67: {  	_ =	shalt  }
0x68: {  	_ =	shalt  }
0x69: {  	_ =	shalt  }
0x6a: {  	_ =	shalt  }
0x6b: {  	_ =	shalt  }
0x6c: {  	_ =	shalt  }
0x6d: {  	_ =	shalt  }
0x6e: {  	_ =	shalt  }
0x6f: {  	_ =	shalt  }
0x70: {  	_ =	shalt  }
0x71: {  	_ =	shalt  }
0x72: {  	_ =	shalt  }
0x73: {  	_ =	shalt  }
0x74: {  	_ =	shalt  }
0x75: {  	_ =	shalt  }
0x76: {  	_ =	shalt  }
0x77: {  	_ =	shalt  }
0x78: {  	_ =	shalt  }
0x79: {  	_ =	shalt  }
0x7a: {  	_ =	shalt  }
0x7b: {  	_ =	shalt  }
0x7c: {  	_ =	shalt  }
0x7d: {  	_ =	shalt  }
0x7e: {  	_ =	shalt  }
0x7f: {  	_ =	shalt  }
0x80: {  	_ =	shalt  }
0x81: {  	_ =	shalt  }
0x82: {  	_ =	shalt  }
0x83: {  	_ =	shalt  }
0x84: {  	_ =	shalt  }
0x85: {  	_ =	shalt  }
0x86: {  	_ =	shalt  }
0x87: {  	_ =	shalt  }
.Lfunc_end0:
.L_simem_size_0:
called_computation.1_lowered:
.L_overlay_start_0:
0x88: {  	s2 =	sld [smem:$0x3FD9]  }
0x89: {  	s3 =	sld [smem:$0x3FFE];
	_ =	sdelay $0x1  }
0x8a: {  	s1 =	srdreg.scid  }
0x8b: {  	s0 =	sand.u32 $0x1, s1  }
0x8c: {  	s16 =	sshll.u32 s0, $0xA;
	s2 =	sadd.s32 s3, s2  }
0x8d: {  	s2 =	sadd.s32 s2, s16  }
0x8e: {  	[smem:$0x3FB8] =	sst s2  }
0x8f: {  	_ = 	snop  }
0x90: {  	(tm) =	ssettm $0x1  }
0x91: {  	s17 =	sld [smem:$0x3FFB];
	_ =	sdelay $0x3  }
0x92: {  	_ =	strace s17  }
0x93: {  	s2 =	sld [smem:$0x3FFC];
	_ =	sdelay $0x3  }
0x94: {  	_ =	strace s2  }
0x95: {  	s2 =	sld [smem:$0x3FFD];
	_ =	sdelay $0x3  }
0x96: {  	_ =	strace s2  }
0x97: {  	_ =	strace $0x8FFFFFFF  }
0x98: {  	s18 =	sld [smem:$0x3FDB];
	_ =	sdelay $0x1  }
0x99: {  	s19 =	simm.s32 $_scs_section_size  }
0x9a: {  	s4 =	simm.s32 $_size__tile_overlayer_lowered;
	s5 =	simm.s32 $_tile_overlayer_lowered  }
0x9b: {  	s22 =	simm.s32 $0x1BFF;
	s21 =	sshll.u32 s5, $0x1;
	s2 =	sadd.s32 s19, s18  }
0x9c: {  	s6 =	simm.s32 $0x0;
	s20 =	sshll.u32 s4, $0x1;
	s4 =	sadd.s32 s21, s2  }
0x9d: {  	[timem:s6], [sflag:s22] =	dma.local [hbm:s4], s20  }
0x9e: {  	_ =	swait.ge [sflag:s22], s20  }
0x9f: {  	s3 =	ssub.s32 $0x0, s20;
	[sflag:s22] =	ssyncset.done $0x0  }
0xa0: {  	[sflag:s22] =	ssyncadd.s32 s3;
	_ =	sdelay $0x1  }
0xa1: {  	s23 =	simm.s32 $0x1B8B  }
0xa2: {  	_ =	swait.ge [sflag:s23], $0x1  }
0xa3: {  	[sflag:s23] =	ssyncset.done $0x0  }
0xa4: {  	s25 =	simm.s32 $0x1B8E;
	s24 =	sld [smem:$0x3FFE];
	[sflag:s23] =	ssyncadd.s32 $0xFFFFFFFF  }
0xa5: {  	s26 =	simm.s32 $execute0_lowered;
	[smem:$0x3FD2] =	sst s25  }
0xa6: {  	s4 =	sshll.u32 s26, $0x1;
	_ =	strace $0x80000046;
	[dreg:$0x1] =	wrdreg $0xFFFFFFFF  }
0xa7: {  	s28 =	simm.s32 $_size_execute0_lowered;
	s2 =	sadd.s32 s2, s4;
	[dreg:$0x0] =	wrdreg $0x0  }
0xa8: {  	s4 =	sshll.u32 s28, $0x1;
	[dreg:$0x2] =	wrdreg s2  }
0xa9: {  	[dreg:$0x3] =	wrdreg s4  }
0xaa: {  	[dreg:$0x4] =	wrdreg $0xC0  }
0xab: {  	_ =	task [dreg:s6], $0x5FFFF  }
0xac: {  	[dreg:$0x1] =	wrdreg $0xFFFFFFFF  }
0xad: {  	[dreg:$0x0] =	wrdreg $0x60  }
0xae: {  	[dreg:$0x2] =	wrdreg s24  }
0xaf: {  	[dreg:$0x3] =	wrdreg $0x0  }
0xb0: {  	[dreg:$0x4] =	wrdreg $0xA  }
0xb1: {  	_ =	task.clear_ibuf [dreg:s6], $0x5FFFF;
	_ =	strace $0x90000046  }
0xb2: {  	s29 =	simm.s32 $0xA;
	_ =	strace $0x80000048  }
0xb3: {  	_ =	swait.ge [sflag:s29], $0x1  }
0xb4: {  	[sflag:s29] =	ssyncadd.s32 $0xFFFFFFFF  }
0xb5: {  	_ =	strace $0x90000048  }
0xb6: {  	_ =	sfence  }
0xb7: {  	s30 =	sld [smem:$0x0];
	_ =	sdelay $0x2  }
0xb8: {  	s31 =	sshll.u32 s1, $0xD;
	s1 =	sshrl.u32 s1, $0x2  }
0xb9: {  	s3 =	sand.u32 $0x4000, s31;
	s1 =	sadd.s32 s1, s30  }
0xba: {  	s0 =	sor.u32 s3, s0;
	s1 =	sshll.u32 s1, $0x11  }
0xbb: {  	s0 =	sor.u32 s1, s0  }
0xbc: {  	s0 =	sadd.s32 $0x8F2B, s0  }
0xbd: {  	[sflag:s0] =	ssyncadd.remote.s32 $0x1  }
0xbe: {  	_ =	sfence.sel $0xFFFF  }
0xbf: {  	[dreg:$0x0] =	wrdreg $0xFFFFFFFF;
	(pc) =	sbr.abs _section_cstart, $3  }
0xc0: {  	[dreg:$0x1] =	wrdreg $0xFFFFFFFF  }
0xc1: {  	_ =	task.clear_ibuf [dreg:s6], $0x2FFFF;
	_ =	strace $0x9FFFFFFF  }
0xc2: {  	(tm) =	ssettm $0x7FFFFFFF  }
0xc3: {  	_ =	shalt  }
tec
execute0_lowered:
.L_overlay_start_1:
0x0: {  	(tag) =	ssettag $0x1  }
0x1: {  	s8 =	rddreg [dreg:$0x0]  }
0x2: {  	s2 =	rddreg [dreg:$0x1]  }
0x3: {  	s0 =	rddreg [dreg:$0x2]  }
0x4: {  	s3 =	simm.s32 $0x0;
	s1 =	stileid.u32;
	s7 =	srdreg.scid  }
0x5: {  	s18 =	simm.s32 $0xA000;
	s19 =	simm.s32 $0xA050;
	s20 =	simm.s32 $0x50  }
0x6: {  	s21 =	simm.s32 $0xA0A0;
	s22 =	simm.s32 $0x1;
	s23 =	simm.s32 $0x0  }
0x7: {  	[smem:$0x7FF] =	sst s3;
	s6 =	smul.u32 $0x9C4, s1;
	s4 =	sadd.s32 $0x3F400, s8  }
0x8: {  	s5 =	sadd.s32 $0x2BA00, s8;
	s16 =	sand.u32 $0x1, s7;
	s7 =	sadd.s32 $0x54200, s8  }
0x9: {  	s10 =	smul.u32 $0xA000, s1;
	s12 =	sshll.u32 s1, $0x6;
	_ =	strace $0x80000047  }
0xa: {  	s9 =	ssub.s32 $0x2, s16;
	p0 =	sne.s32 s16, $0x0;
	s15 =	sadd.s32 s6, s8  }
.Ltmp0:
0xb: {  	s6 =	sadd.s32 $0x52E00, s8;
	s8 =	sadd.s32 $0x68200, s8;
	(pc) =	sbr.rel .LBB2_1-.Ltmp0, $4  }
0xc: {  	s11 =	sshrl.u32 s9, $0x1;
	s17 =	sadd.s32 s10, s2;
	s10 =	sshrl.u32 s10, $0x3  }
0xd: {  	s11 =	ssub.s32 s9, s11;
	s9 =	sor.u32 $0x1C02, s12;
	s12 =	sadd.s32 $0x4200, s15  }
0xe: {  	s13 =	sadd.s32 $0xE000, s15;
	s14 =	sadd.s32 $0x17E00, s15;
	s15 =	sadd.s32 $0x21C00, s15  }
0xf: {  	s16 =	sshrl.u32 s17, $0x3;
	s17 =	simm.s32 $0x2;
	s11 =	smax.u32 s11, $0x1  }
.LBB2_7:
0x10: {  	s25 =	sadd.s32 s24, s13;
	[sflag:s17] =	ssyncadd.s32 $0xFFFFEC00  }
0x11: {  	[tilespmem:s18], [sflag:$0x2] =	stream.linear.gather [hbm4b:s25+s3], $0x50, $0x38;
	[tilespmem:$0xB4A0] =	vst v63  }
0x12: {  	_ =	swait.ge [sflag:s17], $0x50  }
0x13: {  	[sflag:s17] =	ssyncset.done $0x0  }
0x14: {  	s31 =	sadd.s32 s24, s12;
	[sflag:s17] =	ssyncadd.s32 $0xFFFFFFB0  }
0x15: {  	[tilespmem:s19], [sflag:$0x2] =	stream.linear.gather [hbm4b:s31+s3], $0x50, $0x38;
	[tilespmem:$0xB4A0] =	vst v63  }
0x16: {  	_ =	swait.ge [sflag:s17], $0x50  }
0x17: {  	[sflag:s17] =	ssyncset.done $0x0  }
0x18: {  	[sflag:s17] =	ssyncadd.s32 $0xFFFFFFB0  }
0x19: {  	[tilespmem:s21], [sflag:$0x1] =	stream.indirect.gather [hbm4b:s5+s20], $0x40, s18, s20, $0xb8;
	[tilespmem:$0xB4A0] =	vst v63  }
0x1a: {  	_ =	swait.ge [sflag:s22], $0x1400  }
0x1b: {  	[sflag:s22] =	ssyncset.done $0x0  }
0x1c: {  	[sflag:s22] =	ssyncadd.s32 $0xFFFFEC00  }
0x1d: {  	[spmem:s2] =	stream.indirect.scatter.add.f32 [tilespmem:s21], [sflag:$0x2], $0x40, s19, s20, $0xb8;
	[tilespmem:$0xB4A0] =	vst v63  }
0x1e: {  	_ =	swait.ge [sflag:s17], $0x1400  }
0x1f: {  	[sflag:s17] =	ssyncset.done $0x0  }
0x20: {  	s24 =	smov.u32 s8;
	[sflag:s17] =	ssyncadd.s32 $0xFFFFEC00  }
.LBB2_8:
0x21: {  	s23 =	sadd.s32 $0x1, s23  }
0x22: {  	p1 =	sne.s32 s23, s11  }
.Ltmp1:
0x23: {  	s24 =	sadd.s32 s24, s10;
	[bflag:$0x0] =	sbarrier.arrive $0xFFFF;
	(pc) =	sbr.rel @!p1 .LBB2_9-.Ltmp1, $4  }
0x24: {  	[hbm:s24], [sflag:s9] =	dma.local [spmem:s16], $0x1400  }
0x25: {  	_ =	swait.ge [sflag:s17], $0x1400  }
0x26: {  	[sflag:s17] =	ssyncset.done $0x0  }
0x27: {  	[sflag:s17] =	ssyncadd.s32 $0xFFFFEC00  }
.LBB2_1:
0x28: {  	[spmem:s16], [sflag:s9] =	dma.local [hbm:s6], $0x1400  }
.Ltmp2:
0x29: {  	_ =	swait.ge [sflag:s17], $0x1400;
	(pc) =	sbr.rel @p0 .LBB2_5-.Ltmp2, $3  }
0x2a: {  	[sflag:s17] =	ssyncset.done $0x0  }
0x2b: {  	[sflag:s17] =	ssyncadd.s32 $0xFFFFEC00  }
0x2c: {  	[bflag:$0x0] =	sbarrier.arrive $0xFFFF;
	_ =	sdelay $0x1  }
0x2d: {  	s24 =	sadd.s32 $0x0, s15  }
0x2e: {  	[tilespmem:s18], [sflag:$0x2] =	stream.linear.gather [hbm4b:s24+s3], $0x50, $0x38;
	[tilespmem:$0xB4A0] =	vst v63  }
0x2f: {  	_ =	swait.ge [sflag:s17], $0x50  }
0x30: {  	[sflag:s17] =	ssyncset.done $0x0  }
0x31: {  	s31 =	sadd.s32 $0x0, s14;
	[sflag:s17] =	ssyncadd.s32 $0xFFFFFFB0  }
0x32: {  	[tilespmem:s19], [sflag:$0x2] =	stream.linear.gather [hbm4b:s31+s3], $0x50, $0x38;
	[tilespmem:$0xB4A0] =	vst v63  }
0x33: {  	_ =	swait.ge [sflag:s17], $0x50  }
0x34: {  	[sflag:s17] =	ssyncset.done $0x0  }
0x35: {  	[sflag:s17] =	ssyncadd.s32 $0xFFFFFFB0  }
0x36: {  	[tilespmem:s21], [sflag:$0x1] =	stream.indirect.gather [hbm4b:s4+s20], $0x40, s18, s20, $0xb8;
	[tilespmem:$0xB4A0] =	vst v63  }
0x37: {  	_ =	swait.ge [sflag:s22], $0x1400  }
0x38: {  	[sflag:s22] =	ssyncset.done $0x0  }
0x39: {  	[sflag:s22] =	ssyncadd.s32 $0xFFFFEC00  }
0x3a: {  	[spmem:s2] =	stream.indirect.scatter.add.f32 [tilespmem:s21], [sflag:$0x2], $0x40, s19, s20, $0xb8;
	[tilespmem:$0xB4A0] =	vst v63  }
0x3b: {  	_ =	swait.ge [sflag:s17], $0x1400  }
0x3c: {  	s25 =	simm.s32 $0x14;
	s24 =	simm.s32 $0xA;
	[sflag:s17] =	ssyncset.done $0x0  }
.LBB2_3:
0x3d: {  	s26 =	sadd.s32 s24, s15  }
0x3e: {  	[sflag:s17] =	ssyncadd.s32 $0xFFFFEC00;
	s28 =	smov.u32 s25;
	s29 =	sadd.s32 $0xA, s25  }
0x3f: {  	[tilespmem:s18], [sflag:$0x2] =	stream.linear.gather [hbm4b:s26+s3], $0x50, $0x38;
	[tilespmem:$0xB4A0] =	vst v63  }
0x40: {  	p1 =	seq.s32 s25, $0x9BA;
	_ =	swait.ge [sflag:s17], $0x50  }
0x41: {  	[sflag:s17] =	ssyncset.done $0x0  }
0x42: {  	s25 =	sadd.s32 s24, s14;
	s24 =	smov.u32 s28;
	[sflag:s17] =	ssyncadd.s32 $0xFFFFFFB0  }
0x43: {  	[tilespmem:s19], [sflag:$0x2] =	stream.linear.gather [hbm4b:s25+s3], $0x50, $0x38;
	[tilespmem:$0xB4A0] =	vst v63  }
0x44: {  	_ =	swait.ge [sflag:s17], $0x50  }
0x45: {  	[sflag:s17] =	ssyncset.done $0x0  }
0x46: {  	[sflag:s17] =	ssyncadd.s32 $0xFFFFFFB0  }
0x47: {  	[tilespmem:s21], [sflag:$0x1] =	stream.indirect.gather [hbm4b:s4+s20], $0x40, s18, s20, $0xb8;
	[tilespmem:$0xB4A0] =	vst v63  }
0x48: {  	_ =	swait.ge [sflag:s22], $0x1400  }
.Ltmp3:
0x49: {  	[sflag:s22] =	ssyncset.done $0x0;
	(pc) =	sbr.rel @!p1 .LBB2_3-.Ltmp3, $4  }
0x4a: {  	[sflag:s22] =	ssyncadd.s32 $0xFFFFEC00  }
0x4b: {  	[spmem:s2] =	stream.indirect.scatter.add.f32 [tilespmem:s21], [sflag:$0x2], $0x40, s19, s20, $0xb8;
	[tilespmem:$0xB4A0] =	vst v63  }
0x4c: {  	_ =	swait.ge [sflag:s17], $0x1400  }
0x4d: {  	s25 =	smov.u32 s29;
	[sflag:s17] =	ssyncset.done $0x0  }
0x4e: {  	s25 =	sadd.s32 s24, s15;
	[sflag:s17] =	ssyncadd.s32 $0xFFFFEC00  }
0x4f: {  	[tilespmem:s18], [sflag:$0x2] =	stream.linear.gather [hbm4b:s25+s3], $0x50, $0x38;
	[tilespmem:$0xB4A0] =	vst v63  }
0x50: {  	_ =	swait.ge [sflag:s17], $0x50  }
0x51: {  	[sflag:s17] =	ssyncset.done $0x0  }
0x52: {  	s31 =	sadd.s32 s24, s14;
	[sflag:s17] =	ssyncadd.s32 $0xFFFFFFB0  }
0x53: {  	[tilespmem:s19], [sflag:$0x2] =	stream.linear.gather [hbm4b:s31+s3], $0x50, $0x38;
	[tilespmem:$0xB4A0] =	vst v63  }
0x54: {  	_ =	swait.ge [sflag:s17], $0x50  }
0x55: {  	[sflag:s17] =	ssyncset.done $0x0  }
0x56: {  	[sflag:s17] =	ssyncadd.s32 $0xFFFFFFB0  }
0x57: {  	[tilespmem:s21], [sflag:$0x1] =	stream.indirect.gather [hbm4b:s4+s20], $0x40, s18, s20, $0xb8;
	[tilespmem:$0xB4A0] =	vst v63  }
0x58: {  	_ =	swait.ge [sflag:s22], $0x1400  }
0x59: {  	[sflag:s22] =	ssyncset.done $0x0  }
.Ltmp4:
0x5a: {  	[sflag:s22] =	ssyncadd.s32 $0xFFFFEC00;
	(pc) =	sbr.rel .LBB2_8-.Ltmp4, $4  }
0x5b: {  	[spmem:s2] =	stream.indirect.scatter.add.f32 [tilespmem:s21], [sflag:$0x2], $0x40, s19, s20, $0xb8;
	[tilespmem:$0xB4A0] =	vst v63  }
0x5c: {  	_ =	swait.ge [sflag:s17], $0x1400  }
0x5d: {  	[sflag:s17] =	ssyncset.done $0x0  }
0x5e: {  	s24 =	smov.u32 s7;
	[sflag:s17] =	ssyncadd.s32 $0xFFFFEC00  }
.LBB2_5:
0x5f: {  	s24 =	sadd.s32 $0x0, s13  }
0x60: {  	[tilespmem:s18], [sflag:$0x2] =	stream.linear.gather [hbm4b:s24+s3], $0x50, $0x38;
	[tilespmem:$0xB4A0] =	vst v63  }
0x61: {  	_ =	swait.ge [sflag:s17], $0x50  }
0x62: {  	[sflag:s17] =	ssyncset.done $0x0  }
0x63: {  	s31 =	sadd.s32 $0x0, s12;
	[sflag:s17] =	ssyncadd.s32 $0xFFFFFFB0  }
0x64: {  	[tilespmem:s19], [sflag:$0x2] =	stream.linear.gather [hbm4b:s31+s3], $0x50, $0x38;
	[tilespmem:$0xB4A0] =	vst v63  }
0x65: {  	_ =	swait.ge [sflag:s17], $0x50  }
0x66: {  	[sflag:s17] =	ssyncset.done $0x0  }
0x67: {  	[sflag:s17] =	ssyncadd.s32 $0xFFFFFFB0  }
0x68: {  	[tilespmem:s21], [sflag:$0x1] =	stream.indirect.gather [hbm4b:s5+s20], $0x40, s18, s20, $0xb8;
	[tilespmem:$0xB4A0] =	vst v63  }
0x69: {  	_ =	swait.ge [sflag:s22], $0x1400  }
0x6a: {  	[sflag:s22] =	ssyncset.done $0x0  }
0x6b: {  	[sflag:s22] =	ssyncadd.s32 $0xFFFFEC00  }
0x6c: {  	[spmem:s2] =	stream.indirect.scatter.add.f32 [tilespmem:s21], [sflag:$0x2], $0x40, s19, s20, $0xb8;
	[tilespmem:$0xB4A0] =	vst v63  }
0x6d: {  	_ =	swait.ge [sflag:s17], $0x1400  }
0x6e: {  	s25 =	simm.s32 $0x14;
	s24 =	simm.s32 $0xA;
	[sflag:s17] =	ssyncset.done $0x0  }
.LBB2_6:
0x6f: {  	s26 =	sadd.s32 s24, s13  }
0x70: {  	[sflag:s17] =	ssyncadd.s32 $0xFFFFEC00;
	s28 =	smov.u32 s25;
	s29 =	sadd.s32 $0xA, s25  }
0x71: {  	[tilespmem:s18], [sflag:$0x2] =	stream.linear.gather [hbm4b:s26+s3], $0x50, $0x38;
	[tilespmem:$0xB4A0] =	vst v63  }
0x72: {  	p1 =	sne.s32 s25, $0x9BA;
	_ =	swait.ge [sflag:s17], $0x50  }
0x73: {  	[sflag:s17] =	ssyncset.done $0x0  }
0x74: {  	s25 =	sadd.s32 s24, s12;
	s24 =	smov.u32 s28;
	[sflag:s17] =	ssyncadd.s32 $0xFFFFFFB0  }
0x75: {  	[tilespmem:s19], [sflag:$0x2] =	stream.linear.gather [hbm4b:s25+s3], $0x50, $0x38;
	[tilespmem:$0xB4A0] =	vst v63  }
0x76: {  	_ =	swait.ge [sflag:s17], $0x50  }
0x77: {  	[sflag:s17] =	ssyncset.done $0x0  }
0x78: {  	[sflag:s17] =	ssyncadd.s32 $0xFFFFFFB0  }
0x79: {  	[tilespmem:s21], [sflag:$0x1] =	stream.indirect.gather [hbm4b:s5+s20], $0x40, s18, s20, $0xb8;
	[tilespmem:$0xB4A0] =	vst v63  }
0x7a: {  	_ =	swait.ge [sflag:s22], $0x1400  }
.Ltmp5:
0x7b: {  	[sflag:s22] =	ssyncset.done $0x0;
	(pc) =	sbr.rel @p1 .LBB2_6-.Ltmp5, $4  }
0x7c: {  	[sflag:s22] =	ssyncadd.s32 $0xFFFFEC00  }
0x7d: {  	[spmem:s2] =	stream.indirect.scatter.add.f32 [tilespmem:s21], [sflag:$0x2], $0x40, s19, s20, $0xb8;
	[tilespmem:$0xB4A0] =	vst v63  }
0x7e: {  	_ =	swait.ge [sflag:s17], $0x1400  }
0x7f: {  	s25 =	smov.u32 s29;
	[sflag:s17] =	ssyncset.done $0x0  }
.Ltmp6:
0x80: {  	_ = 	snop;
	(pc) =	sbr.rel .LBB2_7-.Ltmp6, $1  }
0x81: {  	_ =	sdelay $0x3  }
.LBB2_9:
0x82: {  	_ =	sfence.sel $0x180000  }
0x83: {  	[bflag:$0x0] =	sbarrier.arrive $0xFFFF  }
0x84: {  	p0 =	sne.s32 s1, $0x0;
	_ =	strace $0x90000047  }
0x85: {  	s0 =	sadd.s32 @!p0 $0x100000, s0;
	[bflag:$0x2] =	sbarrier.arrive $0xFFFF  }
0x86: {  	[sflag:s0] =	ssyncadd.tile.s32 @!p0 $0x1;
	_ =	shalt  }
.Lfunc_end2:
_tile_overlayer_lowered:
.L_overlay_start_2:
0x87: {  	(tag) =	ssettag $0x2  }
0x88: {  	s0 =	rddreg [dreg:$0x0];
	s2 =	stileid.u32  }
0x89: {  	s1 =	rddreg [dreg:$0x1];
	p0 =	sne.s32 s2, $0x0  }
0x8a: {  	s3 =	rddreg [dreg:$0x2];
	[bflag:$0x3] =	sbarrier.arrive $0xFFFF;
	s2 =	simm.s32 @!p0 $0x1C02  }
0x8b: {  	[timem:s3], [sflag:s2] =	dma.local @!p0 [hbm:s0], s1  }
0x8c: {  	s0 =	simm.s32 @!p0 $0x2  }
0x8d: {  	_ =	swait.ge @!p0 [sflag:s0], s1  }
0x8e: {  	s1 =	ssub.s32 @!p0 $0x0, s1;
	[sflag:s0] =	ssyncset.done @!p0 $0x0  }
0x8f: {  	[sflag:s0] =	ssyncadd.s32 @!p0 s1  }
0x90: {  	[bflag:$0x3] =	sbarrier.arrive $0xFFFF  }
0x91: {  	_ =	shalt  }

// kernel: kernel.16.cloned.1.call-start
scs
__scs_entry_jumppad:
0x0: {  	(pc) =	sbr.rel $0x88, $3  }
0x1: {  	(tag) =	ssettag $0x0;
	lr =	simm.s32 $0x1  }
0x2: {  	[smem:$0x3F91] =	sst lr;
	_ =	strace $0xD0000000  }
0x3: {  	_ = 	snop  }
0x4: {  	_ = 	snop  }
0x5: {  	_ = 	snop  }
0x6: {  	_ = 	snop  }
0x7: {  	_ = 	snop  }
__scs_overlays_trampoline_lowered:
0x8: {  	[smem:$0x3FA0] =	sst s0  }
0x9: {  	[smem:$0x3FA1] =	sst s1  }
0xa: {  	[smem:$0x3FA2] =	sst s2  }
0xb: {  	[smem:$0x3FA3] =	sst s3  }
0xc: {  	[smem:$0x3FA4] =	sst s4  }
0xd: {  	[smem:$0x3FA5] =	sst s5  }
0xe: {  	[smem:$0x3FA6] =	sst s6  }
0xf: {  	[smem:$0x3FA7] =	sst s7  }
0x10: {  	[smem:$0x3FA8] =	sst s8  }
0x11: {  	[smem:$0x3FA9] =	sst s9;
	s0 =	simm.s32 @!p0 $0x0  }
0x12: {  	s1 =	sld [smem:$0x3F8F];
	s0 =	simm.s32 @p0 $0x1  }
0x13: {  	[smem:$0x3FAA] =	sst s0;
	s0 =	simm.s32 @!p1 $0x0  }
0x14: {  	s2 =	sld [smem:$0x3F8E];
	s0 =	simm.s32 @p1 $0x1  }
0x15: {  	[smem:$0x3FAB] =	sst s0;
	s0 =	simm.s32 @!p2 $0x0  }
0x16: {  	s3 =	sld [smem:$0x3FDB];
	s0 =	simm.s32 @p2 $0x1  }
0x17: {  	s4 =	simm.s32 $0x1BF5;
	[smem:$0x3FAD] =	sst s0  }
0x18: {  	s0 =	sld [smem:$0x3F90];
	_ =	swait.ge [sflag:s4], $0x0  }
0x19: {  	s7 =	sld [smem:$0x3F91]  }
0x1a: {  	s8 =	sadd.s32 $0xFFFFE003, lr  }
0x1b: {  	s9 =	sadd.s32 $0xFFFFFEF7, lr;
	s5 =	simm.s32 $0xFFFFFFFF;
	p2 =	slt.u32 s8, $0xFFFFF086  }
0x1c: {  	p1 =	slt.u32 s9, $0xF7A;
	s5 =	simm.s32 @!p2 $0x0  }
0x1d: {  	s5 =	simm.s32 @p1 $0x1;
	p0 =	seq.s32 s7, s2  }
0x1e: {  	s7 =	smul.u32 @!p0 $0xF7A, s2;
	p2 =	seq.s32 @!p0 s5, $0x0  }
0x1f: {  	s9 =	smul.u32 $0xF7A, s1;
	s8 =	simm.s32 @!p0 $0x1BF5;
	p2 =	por !p2, p0  }
0x20: {  	[sflag:s8] =	ssyncset.s32 @!p0 $0xFFFFF086;
	s6 =	sadd.s32 @!p0 s3, s7;
	s7 =	simm.s32 @!p0 $0x108  }
0x21: {  	s3 =	sadd.s32 s3, s9;
	s6 =	sadd.s32 @!p0 $0x88, s6;
	s7 =	simm.s32 @p2 $0x1082  }
0x22: {  	[simem:s7], [sflag:s8] =	dma.local @!p0 [hbm:s6], $0xF7A  }
0x23: {  	s9 =	sor.u32 $0xD0000000, s2;
	s6 =	simm.s32 $0x108;
	_ =	swait.ge @!p0 [sflag:s8], $0x0  }
0x24: {  	s3 =	sadd.s32 $0x88, s3;
	s6 =	simm.s32 @!p1 $0x1082;
	[sflag:s4] =	ssyncset.s32 $0xFFFFF086  }
0x25: {  	[simem:s6], [sflag:s4] =	dma.local [hbm:s3], $0xF7A  }
0x26: {  	[smem:$0x3F91] =	sst s1;
	(tag) =	ssettag s2;
	_ =	strace s9  }
0x27: {  	s1 =	sld [smem:$0x3FA1]  }
0x28: {  	s2 =	sld [smem:$0x3FA2]  }
0x29: {  	s4 =	sld [smem:$0x3FA4]  }
0x2a: {  	p0 =	seq.s32 s5, $0x0;
	s5 =	sld [smem:$0x3FA5]  }
0x2b: {  	s6 =	sld [smem:$0x3FA6]  }
0x2c: {  	s7 =	sld [smem:$0x3FA7]  }
0x2d: {  	s3 =	simm.s32 $0x108;
	s8 =	sld [smem:$0x3FA8]  }
0x2e: {  	s3 =	simm.s32 @!p0 $0x1082;
	s9 =	sld [smem:$0x3FA9]  }
0x2f: {  	lr =	sadd.s32 s0, s3;
	s0 =	sld [smem:$0x3FA0]  }
0x30: {  	s3 =	sld [smem:$0x3FA3]  }
0x31: {  	[smem:$0x3FAC] =	sst s10  }
0x32: {  	s10 =	sld [smem:$0x3FAA];
	_ =	sdelay $0x3  }
0x33: {  	p0 =	seq.s32 s10, $0x1;
	s10 =	sld [smem:$0x3FAC];
	_ =	sdelay $0x3  }
0x34: {  	[smem:$0x3FAC] =	sst s10  }
0x35: {  	s10 =	sld [smem:$0x3FAB];
	_ =	sdelay $0x3  }
0x36: {  	p1 =	seq.s32 s10, $0x1;
	s10 =	sld [smem:$0x3FAC];
	_ =	sdelay $0x3  }
0x37: {  	[smem:$0x3FAC] =	sst s10  }
0x38: {  	s10 =	sld [smem:$0x3FAD]  }
0x39: {  	_ = 	snop;
	(pc) =	sbr.ind lr, $3  }
0x3a: {  	_ = 	snop  }
0x3b: {  	_ = 	snop  }
0x3c: {  	p2 =	seq.s32 s10, $0x1;
	s10 =	sld [smem:$0x3FAC]  }
0x3d: {  	_ =	shalt  }
0x3e: {  	_ =	shalt  }
0x3f: {  	_ =	shalt  }
0x40: {  	_ =	shalt  }
0x41: {  	_ =	shalt  }
0x42: {  	_ =	shalt  }
0x43: {  	_ =	shalt  }
0x44: {  	_ =	shalt  }
0x45: {  	_ =	shalt  }
0x46: {  	_ =	shalt  }
0x47: {  	_ =	shalt  }
0x48: {  	_ =	shalt  }
0x49: {  	_ =	shalt  }
0x4a: {  	_ =	shalt  }
0x4b: {  	_ =	shalt  }
0x4c: {  	_ =	shalt  }
0x4d: {  	_ =	shalt  }
0x4e: {  	_ =	shalt  }
0x4f: {  	_ =	shalt  }
0x50: {  	_ =	shalt  }
0x51: {  	_ =	shalt  }
0x52: {  	_ =	shalt  }
0x53: {  	_ =	shalt  }
0x54: {  	_ =	shalt  }
0x55: {  	_ =	shalt  }
0x56: {  	_ =	shalt  }
0x57: {  	_ =	shalt  }
0x58: {  	_ =	shalt  }
0x59: {  	_ =	shalt  }
0x5a: {  	_ =	shalt  }
0x5b: {  	_ =	shalt  }
0x5c: {  	_ =	shalt  }
0x5d: {  	_ =	shalt  }
0x5e: {  	_ =	shalt  }
0x5f: {  	_ =	shalt  }
0x60: {  	_ =	shalt  }
0x61: {  	_ =	shalt  }
0x62: {  	_ =	shalt  }
0x63: {  	_ =	shalt  }
0x64: {  	_ =	shalt  }
0x65: {  	_ =	shalt  }
0x66: {  	_ =	shalt  }
0x67: {  	_ =	shalt  }
0x68: {  	_ =	shalt  }
0x69: {  	_ =	shalt  }
0x6a: {  	_ =	shalt  }
0x6b: {  	_ =	shalt  }
0x6c: {  	_ =	shalt  }
0x6d: {  	_ =	shalt  }
0x6e: {  	_ =	shalt  }
0x6f: {  	_ =	shalt  }
0x70: {  	_ =	shalt  }
0x71: {  	_ =	shalt  }
0x72: {  	_ =	shalt  }
0x73: {  	_ =	shalt  }
0x74: {  	_ =	shalt  }
0x75: {  	_ =	shalt  }
0x76: {  	_ =	shalt  }
0x77: {  	_ =	shalt  }
0x78: {  	_ =	shalt  }
0x79: {  	_ =	shalt  }
0x7a: {  	_ =	shalt  }
0x7b: {  	_ =	shalt  }
0x7c: {  	_ =	shalt  }
0x7d: {  	_ =	shalt  }
0x7e: {  	_ =	shalt  }
0x7f: {  	_ =	shalt  }
0x80: {  	_ =	shalt  }
0x81: {  	_ =	shalt  }
0x82: {  	_ =	shalt  }
0x83: {  	_ =	shalt  }
0x84: {  	_ =	shalt  }
0x85: {  	_ =	shalt  }
0x86: {  	_ =	shalt  }
0x87: {  	_ =	shalt  }
.Lfunc_end0:
.L_simem_size_0:
called_computation.2_lowered:
.L_overlay_start_0:
0x88: {  	s2 =	sld [smem:$0x3FD9]  }
0x89: {  	s3 =	sld [smem:$0x3FFE];
	_ =	sdelay $0x1  }
0x8a: {  	s1 =	srdreg.scid  }
0x8b: {  	s0 =	sand.u32 $0x1, s1  }
0x8c: {  	s16 =	sshll.u32 s0, $0xA;
	s2 =	sadd.s32 s3, s2  }
0x8d: {  	s2 =	sadd.s32 s2, s16  }
0x8e: {  	[smem:$0x3FB8] =	sst s2  }
0x8f: {  	_ = 	snop  }
0x90: {  	(tm) =	ssettm $0x1  }
0x91: {  	s17 =	sld [smem:$0x3FFB];
	_ =	sdelay $0x3  }
0x92: {  	_ =	strace s17  }
0x93: {  	s2 =	sld [smem:$0x3FFC];
	_ =	sdelay $0x3  }
0x94: {  	_ =	strace s2  }
0x95: {  	s2 =	sld [smem:$0x3FFD];
	_ =	sdelay $0x3  }
0x96: {  	_ =	strace s2  }
0x97: {  	_ =	strace $0x8FFFFFFF  }
0x98: {  	s18 =	sld [smem:$0x3FDB];
	_ =	sdelay $0x1  }
0x99: {  	s19 =	simm.s32 $_scs_section_size  }
0x9a: {  	s4 =	simm.s32 $_size__tile_overlayer_lowered;
	s5 =	simm.s32 $_tile_overlayer_lowered  }
0x9b: {  	s22 =	simm.s32 $0x1BFF;
	s21 =	sshll.u32 s5, $0x1;
	s2 =	sadd.s32 s19, s18  }
0x9c: {  	s6 =	simm.s32 $0x0;
	s20 =	sshll.u32 s4, $0x1;
	s4 =	sadd.s32 s21, s2  }
0x9d: {  	[timem:s6], [sflag:s22] =	dma.local [hbm:s4], s20  }
0x9e: {  	_ =	swait.ge [sflag:s22], s20  }
0x9f: {  	s3 =	ssub.s32 $0x0, s20;
	[sflag:s22] =	ssyncset.done $0x0  }
0xa0: {  	[sflag:s22] =	ssyncadd.s32 s3;
	_ =	sdelay $0x1  }
0xa1: {  	s23 =	simm.s32 $0x1B8B  }
0xa2: {  	_ =	swait.ge [sflag:s23], $0x1  }
0xa3: {  	[sflag:s23] =	ssyncset.done $0x0  }
0xa4: {  	s25 =	simm.s32 $0x1B8E;
	s24 =	sld [smem:$0x3FFE];
	[sflag:s23] =	ssyncadd.s32 $0xFFFFFFFF  }
0xa5: {  	s26 =	simm.s32 $execute0_lowered;
	[smem:$0x3FD2] =	sst s25  }
0xa6: {  	s4 =	sshll.u32 s26, $0x1;
	_ =	strace $0x8000004C;
	[dreg:$0x1] =	wrdreg $0xFFFFFFFF  }
0xa7: {  	s28 =	simm.s32 $_size_execute0_lowered;
	s2 =	sadd.s32 s2, s4;
	[dreg:$0x0] =	wrdreg $0x0  }
0xa8: {  	s4 =	sshll.u32 s28, $0x1;
	[dreg:$0x2] =	wrdreg s2  }
0xa9: {  	[dreg:$0x3] =	wrdreg s4  }
0xaa: {  	[dreg:$0x4] =	wrdreg $0xC0  }
0xab: {  	_ =	task [dreg:s6], $0x5FFFF  }
0xac: {  	[dreg:$0x1] =	wrdreg $0xFFFFFFFF  }
0xad: {  	[dreg:$0x0] =	wrdreg $0x60  }
0xae: {  	[dreg:$0x2] =	wrdreg s24  }
0xaf: {  	[dreg:$0x3] =	wrdreg $0x0  }
0xb0: {  	[dreg:$0x4] =	wrdreg $0x9  }
0xb1: {  	_ =	task.clear_ibuf [dreg:s6], $0x5FFFF;
	_ =	strace $0x9000004C  }
0xb2: {  	s29 =	simm.s32 $0x9;
	_ =	strace $0x8000004E  }
0xb3: {  	_ =	swait.ge [sflag:s29], $0x1  }
0xb4: {  	[sflag:s29] =	ssyncadd.s32 $0xFFFFFFFF  }
0xb5: {  	_ =	strace $0x9000004E  }
0xb6: {  	_ =	sfence  }
0xb7: {  	s30 =	sld [smem:$0x0];
	_ =	sdelay $0x2  }
0xb8: {  	s31 =	sshll.u32 s1, $0xD;
	s1 =	sshrl.u32 s1, $0x2  }
0xb9: {  	s3 =	sand.u32 $0x4000, s31;
	s1 =	sadd.s32 s1, s30  }
0xba: {  	s0 =	sor.u32 s3, s0;
	s1 =	sshll.u32 s1, $0x11  }
0xbb: {  	s0 =	sor.u32 s1, s0  }
0xbc: {  	s0 =	sadd.s32 $0x8F2B, s0  }
0xbd: {  	[sflag:s0] =	ssyncadd.remote.s32 $0x1  }
0xbe: {  	_ =	sfence.sel $0xFFFF  }
0xbf: {  	[dreg:$0x0] =	wrdreg $0xFFFFFFFF;
	(pc) =	sbr.abs _section_cstart, $3  }
0xc0: {  	[dreg:$0x1] =	wrdreg $0xFFFFFFFF  }
0xc1: {  	_ =	task.clear_ibuf [dreg:s6], $0x2FFFF;
	_ =	strace $0x9FFFFFFF  }
0xc2: {  	(tm) =	ssettm $0x7FFFFFFF  }
0xc3: {  	_ =	shalt  }
tec
execute0_lowered:
.L_overlay_start_1:
0x0: {  	(tag) =	ssettag $0x1  }
0x1: {  	s8 =	rddreg [dreg:$0x0]  }
0x2: {  	s2 =	rddreg [dreg:$0x1]  }
0x3: {  	s0 =	rddreg [dreg:$0x2]  }
0x4: {  	s3 =	simm.s32 $0x0;
	s1 =	stileid.u32;
	s7 =	srdreg.scid  }
0x5: {  	s18 =	simm.s32 $0xA000;
	s19 =	simm.s32 $0xA050;
	s20 =	simm.s32 $0x50  }
0x6: {  	s21 =	simm.s32 $0xA0A0;
	s22 =	simm.s32 $0x1;
	s23 =	simm.s32 $0x0  }
0x7: {  	[smem:$0x7FF] =	sst s3;
	s6 =	smul.u32 $0x9C4, s1;
	s4 =	sadd.s32 $0x3F400, s8  }
0x8: {  	s5 =	sadd.s32 $0x2BA00, s8;
	s16 =	sand.u32 $0x1, s7;
	s7 =	sadd.s32 $0x54200, s8  }
0x9: {  	s10 =	smul.u32 $0xA000, s1;
	s12 =	sshll.u32 s1, $0x6;
	_ =	strace $0x8000004D  }
0xa: {  	s9 =	ssub.s32 $0x2, s16;
	p0 =	sne.s32 s16, $0x0;
	s15 =	sadd.s32 s6, s8  }
.Ltmp0:
0xb: {  	s6 =	sadd.s32 $0x52E00, s8;
	s8 =	sadd.s32 $0x68200, s8;
	(pc) =	sbr.rel .LBB2_1-.Ltmp0, $4  }
0xc: {  	s11 =	sshrl.u32 s9, $0x1;
	s17 =	sadd.s32 s10, s2;
	s10 =	sshrl.u32 s10, $0x3  }
0xd: {  	s11 =	ssub.s32 s9, s11;
	s9 =	sor.u32 $0x1C02, s12;
	s12 =	sadd.s32 $0x4200, s15  }
0xe: {  	s13 =	sadd.s32 $0xE000, s15;
	s14 =	sadd.s32 $0x17E00, s15;
	s15 =	sadd.s32 $0x21C00, s15  }
0xf: {  	s16 =	sshrl.u32 s17, $0x3;
	s17 =	simm.s32 $0x2;
	s11 =	smax.u32 s11, $0x1  }
.LBB2_7:
0x10: {  	s25 =	sadd.s32 s24, s13;
	[sflag:s17] =	ssyncadd.s32 $0xFFFFEC00  }
0x11: {  	[tilespmem:s18], [sflag:$0x2] =	stream.linear.gather [hbm4b:s25+s3], $0x50, $0x38;
	[tilespmem:$0xB4A0] =	vst v63  }
0x12: {  	_ =	swait.ge [sflag:s17], $0x50  }
0x13: {  	[sflag:s17] =	ssyncset.done $0x0  }
0x14: {  	s31 =	sadd.s32 s24, s12;
	[sflag:s17] =	ssyncadd.s32 $0xFFFFFFB0  }
0x15: {  	[tilespmem:s19], [sflag:$0x2] =	stream.linear.gather [hbm4b:s31+s3], $0x50, $0x38;
	[tilespmem:$0xB4A0] =	vst v63  }
0x16: {  	_ =	swait.ge [sflag:s17], $0x50  }
0x17: {  	[sflag:s17] =	ssyncset.done $0x0  }
0x18: {  	[sflag:s17] =	ssyncadd.s32 $0xFFFFFFB0  }
0x19: {  	[tilespmem:s21], [sflag:$0x1] =	stream.indirect.gather [hbm4b:s5+s20], $0x40, s18, s20, $0xb8;
	[tilespmem:$0xB4A0] =	vst v63  }
0x1a: {  	_ =	swait.ge [sflag:s22], $0x1400  }
0x1b: {  	[sflag:s22] =	ssyncset.done $0x0  }
0x1c: {  	[sflag:s22] =	ssyncadd.s32 $0xFFFFEC00  }
0x1d: {  	[spmem:s2] =	stream.indirect.scatter.add.f32 [tilespmem:s21], [sflag:$0x2], $0x40, s19, s20, $0xb8;
	[tilespmem:$0xB4A0] =	vst v63  }
0x1e: {  	_ =	swait.ge [sflag:s17], $0x1400  }
0x1f: {  	[sflag:s17] =	ssyncset.done $0x0  }
0x20: {  	s24 =	smov.u32 s8;
	[sflag:s17] =	ssyncadd.s32 $0xFFFFEC00  }
.LBB2_8:
0x21: {  	s23 =	sadd.s32 $0x1, s23  }
0x22: {  	p1 =	sne.s32 s23, s11  }
.Ltmp1:
0x23: {  	s24 =	sadd.s32 s24, s10;
	[bflag:$0x0] =	sbarrier.arrive $0xFFFF;
	(pc) =	sbr.rel @!p1 .LBB2_9-.Ltmp1, $4  }
0x24: {  	[hbm:s24], [sflag:s9] =	dma.local [spmem:s16], $0x1400  }
0x25: {  	_ =	swait.ge [sflag:s17], $0x1400  }
0x26: {  	[sflag:s17] =	ssyncset.done $0x0  }
0x27: {  	[sflag:s17] =	ssyncadd.s32 $0xFFFFEC00  }
.LBB2_1:
0x28: {  	[spmem:s16], [sflag:s9] =	dma.local [hbm:s6], $0x1400  }
.Ltmp2:
0x29: {  	_ =	swait.ge [sflag:s17], $0x1400;
	(pc) =	sbr.rel @p0 .LBB2_5-.Ltmp2, $3  }
0x2a: {  	[sflag:s17] =	ssyncset.done $0x0  }
0x2b: {  	[sflag:s17] =	ssyncadd.s32 $0xFFFFEC00  }
0x2c: {  	[bflag:$0x0] =	sbarrier.arrive $0xFFFF;
	_ =	sdelay $0x1  }
0x2d: {  	s24 =	sadd.s32 $0x0, s15  }
0x2e: {  	[tilespmem:s18], [sflag:$0x2] =	stream.linear.gather [hbm4b:s24+s3], $0x50, $0x38;
	[tilespmem:$0xB4A0] =	vst v63  }
0x2f: {  	_ =	swait.ge [sflag:s17], $0x50  }
0x30: {  	[sflag:s17] =	ssyncset.done $0x0  }
0x31: {  	s31 =	sadd.s32 $0x0, s14;
	[sflag:s17] =	ssyncadd.s32 $0xFFFFFFB0  }
0x32: {  	[tilespmem:s19], [sflag:$0x2] =	stream.linear.gather [hbm4b:s31+s3], $0x50, $0x38;
	[tilespmem:$0xB4A0] =	vst v63  }
0x33: {  	_ =	swait.ge [sflag:s17], $0x50  }
0x34: {  	[sflag:s17] =	ssyncset.done $0x0  }
0x35: {  	[sflag:s17] =	ssyncadd.s32 $0xFFFFFFB0  }
0x36: {  	[tilespmem:s21], [sflag:$0x1] =	stream.indirect.gather [hbm4b:s4+s20], $0x40, s18, s20, $0xb8;
	[tilespmem:$0xB4A0] =	vst v63  }
0x37: {  	_ =	swait.ge [sflag:s22], $0x1400  }
0x38: {  	[sflag:s22] =	ssyncset.done $0x0  }
0x39: {  	[sflag:s22] =	ssyncadd.s32 $0xFFFFEC00  }
0x3a: {  	[spmem:s2] =	stream.indirect.scatter.add.f32 [tilespmem:s21], [sflag:$0x2], $0x40, s19, s20, $0xb8;
	[tilespmem:$0xB4A0] =	vst v63  }
0x3b: {  	_ =	swait.ge [sflag:s17], $0x1400  }
0x3c: {  	s25 =	simm.s32 $0x14;
	s24 =	simm.s32 $0xA;
	[sflag:s17] =	ssyncset.done $0x0  }
.LBB2_3:
0x3d: {  	s26 =	sadd.s32 s24, s15  }
0x3e: {  	[sflag:s17] =	ssyncadd.s32 $0xFFFFEC00;
	s28 =	smov.u32 s25;
	s29 =	sadd.s32 $0xA, s25  }
0x3f: {  	[tilespmem:s18], [sflag:$0x2] =	stream.linear.gather [hbm4b:s26+s3], $0x50, $0x38;
	[tilespmem:$0xB4A0] =	vst v63  }
0x40: {  	p1 =	seq.s32 s25, $0x9BA;
	_ =	swait.ge [sflag:s17], $0x50  }
0x41: {  	[sflag:s17] =	ssyncset.done $0x0  }
0x42: {  	s25 =	sadd.s32 s24, s14;
	s24 =	smov.u32 s28;
	[sflag:s17] =	ssyncadd.s32 $0xFFFFFFB0  }
0x43: {  	[tilespmem:s19], [sflag:$0x2] =	stream.linear.gather [hbm4b:s25+s3], $0x50, $0x38;
	[tilespmem:$0xB4A0] =	vst v63  }
0x44: {  	_ =	swait.ge [sflag:s17], $0x50  }
0x45: {  	[sflag:s17] =	ssyncset.done $0x0  }
0x46: {  	[sflag:s17] =	ssyncadd.s32 $0xFFFFFFB0  }
0x47: {  	[tilespmem:s21], [sflag:$0x1] =	stream.indirect.gather [hbm4b:s4+s20], $0x40, s18, s20, $0xb8;
	[tilespmem:$0xB4A0] =	vst v63  }
0x48: {  	_ =	swait.ge [sflag:s22], $0x1400  }
.Ltmp3:
0x49: {  	[sflag:s22] =	ssyncset.done $0x0;
	(pc) =	sbr.rel @!p1 .LBB2_3-.Ltmp3, $4  }
0x4a: {  	[sflag:s22] =	ssyncadd.s32 $0xFFFFEC00  }
0x4b: {  	[spmem:s2] =	stream.indirect.scatter.add.f32 [tilespmem:s21], [sflag:$0x2], $0x40, s19, s20, $0xb8;
	[tilespmem:$0xB4A0] =	vst v63  }
0x4c: {  	_ =	swait.ge [sflag:s17], $0x1400  }
0x4d: {  	s25 =	smov.u32 s29;
	[sflag:s17] =	ssyncset.done $0x0  }
0x4e: {  	s25 =	sadd.s32 s24, s15;
	[sflag:s17] =	ssyncadd.s32 $0xFFFFEC00  }
0x4f: {  	[tilespmem:s18], [sflag:$0x2] =	stream.linear.gather [hbm4b:s25+s3], $0x50, $0x38;
	[tilespmem:$0xB4A0] =	vst v63  }
0x50: {  	_ =	swait.ge [sflag:s17], $0x50  }
0x51: {  	[sflag:s17] =	ssyncset.done $0x0  }
0x52: {  	s31 =	sadd.s32 s24, s14;
	[sflag:s17] =	ssyncadd.s32 $0xFFFFFFB0  }
0x53: {  	[tilespmem:s19], [sflag:$0x2] =	stream.linear.gather [hbm4b:s31+s3], $0x50, $0x38;
	[tilespmem:$0xB4A0] =	vst v63  }
0x54: {  	_ =	swait.ge [sflag:s17], $0x50  }
0x55: {  	[sflag:s17] =	ssyncset.done $0x0  }
0x56: {  	[sflag:s17] =	ssyncadd.s32 $0xFFFFFFB0  }
0x57: {  	[tilespmem:s21], [sflag:$0x1] =	stream.indirect.gather [hbm4b:s4+s20], $0x40, s18, s20, $0xb8;
	[tilespmem:$0xB4A0] =	vst v63  }
0x58: {  	_ =	swait.ge [sflag:s22], $0x1400  }
0x59: {  	[sflag:s22] =	ssyncset.done $0x0  }
.Ltmp4:
0x5a: {  	[sflag:s22] =	ssyncadd.s32 $0xFFFFEC00;
	(pc) =	sbr.rel .LBB2_8-.Ltmp4, $4  }
0x5b: {  	[spmem:s2] =	stream.indirect.scatter.add.f32 [tilespmem:s21], [sflag:$0x2], $0x40, s19, s20, $0xb8;
	[tilespmem:$0xB4A0] =	vst v63  }
0x5c: {  	_ =	swait.ge [sflag:s17], $0x1400  }
0x5d: {  	[sflag:s17] =	ssyncset.done $0x0  }
0x5e: {  	s24 =	smov.u32 s7;
	[sflag:s17] =	ssyncadd.s32 $0xFFFFEC00  }
.LBB2_5:
0x5f: {  	s24 =	sadd.s32 $0x0, s13  }
0x60: {  	[tilespmem:s18], [sflag:$0x2] =	stream.linear.gather [hbm4b:s24+s3], $0x50, $0x38;
	[tilespmem:$0xB4A0] =	vst v63  }
0x61: {  	_ =	swait.ge [sflag:s17], $0x50  }
0x62: {  	[sflag:s17] =	ssyncset.done $0x0  }
0x63: {  	s31 =	sadd.s32 $0x0, s12;
	[sflag:s17] =	ssyncadd.s32 $0xFFFFFFB0  }
0x64: {  	[tilespmem:s19], [sflag:$0x2] =	stream.linear.gather [hbm4b:s31+s3], $0x50, $0x38;
	[tilespmem:$0xB4A0] =	vst v63  }
0x65: {  	_ =	swait.ge [sflag:s17], $0x50  }
0x66: {  	[sflag:s17] =	ssyncset.done $0x0  }
0x67: {  	[sflag:s17] =	ssyncadd.s32 $0xFFFFFFB0  }
0x68: {  	[tilespmem:s21], [sflag:$0x1] =	stream.indirect.gather [hbm4b:s5+s20], $0x40, s18, s20, $0xb8;
	[tilespmem:$0xB4A0] =	vst v63  }
0x69: {  	_ =	swait.ge [sflag:s22], $0x1400  }
0x6a: {  	[sflag:s22] =	ssyncset.done $0x0  }
0x6b: {  	[sflag:s22] =	ssyncadd.s32 $0xFFFFEC00  }
0x6c: {  	[spmem:s2] =	stream.indirect.scatter.add.f32 [tilespmem:s21], [sflag:$0x2], $0x40, s19, s20, $0xb8;
	[tilespmem:$0xB4A0] =	vst v63  }
0x6d: {  	_ =	swait.ge [sflag:s17], $0x1400  }
0x6e: {  	s25 =	simm.s32 $0x14;
	s24 =	simm.s32 $0xA;
	[sflag:s17] =	ssyncset.done $0x0  }
.LBB2_6:
0x6f: {  	s26 =	sadd.s32 s24, s13  }
0x70: {  	[sflag:s17] =	ssyncadd.s32 $0xFFFFEC00;
	s28 =	smov.u32 s25;
	s29 =	sadd.s32 $0xA, s25  }
0x71: {  	[tilespmem:s18], [sflag:$0x2] =	stream.linear.gather [hbm4b:s26+s3], $0x50, $0x38;
	[tilespmem:$0xB4A0] =	vst v63  }
0x72: {  	p1 =	sne.s32 s25, $0x9BA;
	_ =	swait.ge [sflag:s17], $0x50  }
0x73: {  	[sflag:s17] =	ssyncset.done $0x0  }
0x74: {  	s25 =	sadd.s32 s24, s12;
	s24 =	smov.u32 s28;
	[sflag:s17] =	ssyncadd.s32 $0xFFFFFFB0  }
0x75: {  	[tilespmem:s19], [sflag:$0x2] =	stream.linear.gather [hbm4b:s25+s3], $0x50, $0x38;
	[tilespmem:$0xB4A0] =	vst v63  }
0x76: {  	_ =	swait.ge [sflag:s17], $0x50  }
0x77: {  	[sflag:s17] =	ssyncset.done $0x0  }
0x78: {  	[sflag:s17] =	ssyncadd.s32 $0xFFFFFFB0  }
0x79: {  	[tilespmem:s21], [sflag:$0x1] =	stream.indirect.gather [hbm4b:s5+s20], $0x40, s18, s20, $0xb8;
	[tilespmem:$0xB4A0] =	vst v63  }
0x7a: {  	_ =	swait.ge [sflag:s22], $0x1400  }
.Ltmp5:
0x7b: {  	[sflag:s22] =	ssyncset.done $0x0;
	(pc) =	sbr.rel @p1 .LBB2_6-.Ltmp5, $4  }
0x7c: {  	[sflag:s22] =	ssyncadd.s32 $0xFFFFEC00  }
0x7d: {  	[spmem:s2] =	stream.indirect.scatter.add.f32 [tilespmem:s21], [sflag:$0x2], $0x40, s19, s20, $0xb8;
	[tilespmem:$0xB4A0] =	vst v63  }
0x7e: {  	_ =	swait.ge [sflag:s17], $0x1400  }
0x7f: {  	s25 =	smov.u32 s29;
	[sflag:s17] =	ssyncset.done $0x0  }
.Ltmp6:
0x80: {  	_ = 	snop;
	(pc) =	sbr.rel .LBB2_7-.Ltmp6, $1  }
0x81: {  	_ =	sdelay $0x3  }
.LBB2_9:
0x82: {  	_ =	sfence.sel $0x180000  }
0x83: {  	[bflag:$0x0] =	sbarrier.arrive $0xFFFF  }
0x84: {  	p0 =	sne.s32 s1, $0x0;
	_ =	strace $0x9000004D  }
0x85: {  	s0 =	sadd.s32 @!p0 $0x100000, s0;
	[bflag:$0x2] =	sbarrier.arrive $0xFFFF  }
0x86: {  	[sflag:s0] =	ssyncadd.tile.s32 @!p0 $0x1;
	_ =	shalt  }
.Lfunc_end2:
_tile_overlayer_lowered:
.L_overlay_start_2:
0x87: {  	(tag) =	ssettag $0x2  }
0x88: {  	s0 =	rddreg [dreg:$0x0];
	s2 =	stileid.u32  }
0x89: {  	s1 =	rddreg [dreg:$0x1];
	p0 =	sne.s32 s2, $0x0  }
0x8a: {  	s3 =	rddreg [dreg:$0x2];
	[bflag:$0x3] =	sbarrier.arrive $0xFFFF;
	s2 =	simm.s32 @!p0 $0x1C02  }
0x8b: {  	[timem:s3], [sflag:s2] =	dma.local @!p0 [hbm:s0], s1  }
0x8c: {  	s0 =	simm.s32 @!p0 $0x2  }
0x8d: {  	_ =	swait.ge @!p0 [sflag:s0], s1  }
0x8e: {  	s1 =	ssub.s32 @!p0 $0x0, s1;
	[sflag:s0] =	ssyncset.done @!p0 $0x0  }
0x8f: {  	[sflag:s0] =	ssyncadd.s32 @!p0 s1  }
0x90: {  	[bflag:$0x3] =	sbarrier.arrive $0xFFFF  }
0x91: {  	_ =	shalt  }

// kernel: kernel.19.cloned.1.call-start
scs
__scs_entry_jumppad:
0x0: {  	(pc) =	sbr.rel $0x88, $3  }
0x1: {  	(tag) =	ssettag $0x0;
	lr =	simm.s32 $0x1  }
0x2: {  	[smem:$0x3F91] =	sst lr;
	_ =	strace $0xD0000000  }
0x3: {  	_ = 	snop  }
0x4: {  	_ = 	snop  }
0x5: {  	_ = 	snop  }
0x6: {  	_ = 	snop  }
0x7: {  	_ = 	snop  }
__scs_overlays_trampoline_lowered:
0x8: {  	[smem:$0x3FA0] =	sst s0  }
0x9: {  	[smem:$0x3FA1] =	sst s1  }
0xa: {  	[smem:$0x3FA2] =	sst s2  }
0xb: {  	[smem:$0x3FA3] =	sst s3  }
0xc: {  	[smem:$0x3FA4] =	sst s4  }
0xd: {  	[smem:$0x3FA5] =	sst s5  }
0xe: {  	[smem:$0x3FA6] =	sst s6  }
0xf: {  	[smem:$0x3FA7] =	sst s7  }
0x10: {  	[smem:$0x3FA8] =	sst s8  }
0x11: {  	[smem:$0x3FA9] =	sst s9;
	s0 =	simm.s32 @!p0 $0x0  }
0x12: {  	s1 =	sld [smem:$0x3F8F];
	s0 =	simm.s32 @p0 $0x1  }
0x13: {  	[smem:$0x3FAA] =	sst s0;
	s0 =	simm.s32 @!p1 $0x0  }
0x14: {  	s2 =	sld [smem:$0x3F8E];
	s0 =	simm.s32 @p1 $0x1  }
0x15: {  	[smem:$0x3FAB] =	sst s0;
	s0 =	simm.s32 @!p2 $0x0  }
0x16: {  	s3 =	sld [smem:$0x3FDB];
	s0 =	simm.s32 @p2 $0x1  }
0x17: {  	s4 =	simm.s32 $0x1BF5;
	[smem:$0x3FAD] =	sst s0  }
0x18: {  	s0 =	sld [smem:$0x3F90];
	_ =	swait.ge [sflag:s4], $0x0  }
0x19: {  	s7 =	sld [smem:$0x3F91]  }
0x1a: {  	s8 =	sadd.s32 $0xFFFFE003, lr  }
0x1b: {  	s9 =	sadd.s32 $0xFFFFFEF7, lr;
	s5 =	simm.s32 $0xFFFFFFFF;
	p2 =	slt.u32 s8, $0xFFFFF086  }
0x1c: {  	p1 =	slt.u32 s9, $0xF7A;
	s5 =	simm.s32 @!p2 $0x0  }
0x1d: {  	s5 =	simm.s32 @p1 $0x1;
	p0 =	seq.s32 s7, s2  }
0x1e: {  	s7 =	smul.u32 @!p0 $0xF7A, s2;
	p2 =	seq.s32 @!p0 s5, $0x0  }
0x1f: {  	s9 =	smul.u32 $0xF7A, s1;
	s8 =	simm.s32 @!p0 $0x1BF5;
	p2 =	por !p2, p0  }
0x20: {  	[sflag:s8] =	ssyncset.s32 @!p0 $0xFFFFF086;
	s6 =	sadd.s32 @!p0 s3, s7;
	s7 =	simm.s32 @!p0 $0x108  }
0x21: {  	s3 =	sadd.s32 s3, s9;
	s6 =	sadd.s32 @!p0 $0x88, s6;
	s7 =	simm.s32 @p2 $0x1082  }
0x22: {  	[simem:s7], [sflag:s8] =	dma.local @!p0 [hbm:s6], $0xF7A  }
0x23: {  	s9 =	sor.u32 $0xD0000000, s2;
	s6 =	simm.s32 $0x108;
	_ =	swait.ge @!p0 [sflag:s8], $0x0  }
0x24: {  	s3 =	sadd.s32 $0x88, s3;
	s6 =	simm.s32 @!p1 $0x1082;
	[sflag:s4] =	ssyncset.s32 $0xFFFFF086  }
0x25: {  	[simem:s6], [sflag:s4] =	dma.local [hbm:s3], $0xF7A  }
0x26: {  	[smem:$0x3F91] =	sst s1;
	(tag) =	ssettag s2;
	_ =	strace s9  }
0x27: {  	s1 =	sld [smem:$0x3FA1]  }
0x28: {  	s2 =	sld [smem:$0x3FA2]  }
0x29: {  	s4 =	sld [smem:$0x3FA4]  }
0x2a: {  	p0 =	seq.s32 s5, $0x0;
	s5 =	sld [smem:$0x3FA5]  }
0x2b: {  	s6 =	sld [smem:$0x3FA6]  }
0x2c: {  	s7 =	sld [smem:$0x3FA7]  }
0x2d: {  	s3 =	simm.s32 $0x108;
	s8 =	sld [smem:$0x3FA8]  }
0x2e: {  	s3 =	simm.s32 @!p0 $0x1082;
	s9 =	sld [smem:$0x3FA9]  }
0x2f: {  	lr =	sadd.s32 s0, s3;
	s0 =	sld [smem:$0x3FA0]  }
0x30: {  	s3 =	sld [smem:$0x3FA3]  }
0x31: {  	[smem:$0x3FAC] =	sst s10  }
0x32: {  	s10 =	sld [smem:$0x3FAA];
	_ =	sdelay $0x3  }
0x33: {  	p0 =	seq.s32 s10, $0x1;
	s10 =	sld [smem:$0x3FAC];
	_ =	sdelay $0x3  }
0x34: {  	[smem:$0x3FAC] =	sst s10  }
0x35: {  	s10 =	sld [smem:$0x3FAB];
	_ =	sdelay $0x3  }
0x36: {  	p1 =	seq.s32 s10, $0x1;
	s10 =	sld [smem:$0x3FAC];
	_ =	sdelay $0x3  }
0x37: {  	[smem:$0x3FAC] =	sst s10  }
0x38: {  	s10 =	sld [smem:$0x3FAD]  }
0x39: {  	_ = 	snop;
	(pc) =	sbr.ind lr, $3  }
0x3a: {  	_ = 	snop  }
0x3b: {  	_ = 	snop  }
0x3c: {  	p2 =	seq.s32 s10, $0x1;
	s10 =	sld [smem:$0x3FAC]  }
0x3d: {  	_ =	shalt  }
0x3e: {  	_ =	shalt  }
0x3f: {  	_ =	shalt  }
0x40: {  	_ =	shalt  }
0x41: {  	_ =	shalt  }
0x42: {  	_ =	shalt  }
0x43: {  	_ =	shalt  }
0x44: {  	_ =	shalt  }
0x45: {  	_ =	shalt  }
0x46: {  	_ =	shalt  }
0x47: {  	_ =	shalt  }
0x48: {  	_ =	shalt  }
0x49: {  	_ =	shalt  }
0x4a: {  	_ =	shalt  }
0x4b: {  	_ =	shalt  }
0x4c: {  	_ =	shalt  }
0x4d: {  	_ =	shalt  }
0x4e: {  	_ =	shalt  }
0x4f: {  	_ =	shalt  }
0x50: {  	_ =	shalt  }
0x51: {  	_ =	shalt  }
0x52: {  	_ =	shalt  }
0x53: {  	_ =	shalt  }
0x54: {  	_ =	shalt  }
0x55: {  	_ =	shalt  }
0x56: {  	_ =	shalt  }
0x57: {  	_ =	shalt  }
0x58: {  	_ =	shalt  }
0x59: {  	_ =	shalt  }
0x5a: {  	_ =	shalt  }
0x5b: {  	_ =	shalt  }
0x5c: {  	_ =	shalt  }
0x5d: {  	_ =	shalt  }
0x5e: {  	_ =	shalt  }
0x5f: {  	_ =	shalt  }
0x60: {  	_ =	shalt  }
0x61: {  	_ =	shalt  }
0x62: {  	_ =	shalt  }
0x63: {  	_ =	shalt  }
0x64: {  	_ =	shalt  }
0x65: {  	_ =	shalt  }
0x66: {  	_ =	shalt  }
0x67: {  	_ =	shalt  }
0x68: {  	_ =	shalt  }
0x69: {  	_ =	shalt  }
0x6a: {  	_ =	shalt  }
0x6b: {  	_ =	shalt  }
0x6c: {  	_ =	shalt  }
0x6d: {  	_ =	shalt  }
0x6e: {  	_ =	shalt  }
0x6f: {  	_ =	shalt  }
0x70: {  	_ =	shalt  }
0x71: {  	_ =	shalt  }
0x72: {  	_ =	shalt  }
0x73: {  	_ =	shalt  }
0x74: {  	_ =	shalt  }
0x75: {  	_ =	shalt  }
0x76: {  	_ =	shalt  }
0x77: {  	_ =	shalt  }
0x78: {  	_ =	shalt  }
0x79: {  	_ =	shalt  }
0x7a: {  	_ =	shalt  }
0x7b: {  	_ =	shalt  }
0x7c: {  	_ =	shalt  }
0x7d: {  	_ =	shalt  }
0x7e: {  	_ =	shalt  }
0x7f: {  	_ =	shalt  }
0x80: {  	_ =	shalt  }
0x81: {  	_ =	shalt  }
0x82: {  	_ =	shalt  }
0x83: {  	_ =	shalt  }
0x84: {  	_ =	shalt  }
0x85: {  	_ =	shalt  }
0x86: {  	_ =	shalt  }
0x87: {  	_ =	shalt  }
.Lfunc_end0:
.L_simem_size_0:
called_computation.3_lowered:
.L_overlay_start_0:
0x88: {  	s2 =	sld [smem:$0x3FD9]  }
0x89: {  	s3 =	sld [smem:$0x3FFE];
	_ =	sdelay $0x1  }
0x8a: {  	s1 =	srdreg.scid  }
0x8b: {  	s0 =	sand.u32 $0x1, s1  }
0x8c: {  	s16 =	sshll.u32 s0, $0xA;
	s2 =	sadd.s32 s3, s2  }
0x8d: {  	s2 =	sadd.s32 s2, s16  }
0x8e: {  	[smem:$0x3FB8] =	sst s2  }
0x8f: {  	_ = 	snop  }
0x90: {  	(tm) =	ssettm $0x1  }
0x91: {  	s17 =	sld [smem:$0x3FFB];
	_ =	sdelay $0x3  }
0x92: {  	_ =	strace s17  }
0x93: {  	s2 =	sld [smem:$0x3FFC];
	_ =	sdelay $0x3  }
0x94: {  	_ =	strace s2  }
0x95: {  	s2 =	sld [smem:$0x3FFD];
	_ =	sdelay $0x3  }
0x96: {  	_ =	strace s2  }
0x97: {  	_ =	strace $0x8FFFFFFF  }
0x98: {  	s18 =	sld [smem:$0x3FDB];
	_ =	sdelay $0x1  }
0x99: {  	s19 =	simm.s32 $_scs_section_size  }
0x9a: {  	s4 =	simm.s32 $_size__tile_overlayer_lowered;
	s5 =	simm.s32 $_tile_overlayer_lowered  }
0x9b: {  	s22 =	simm.s32 $0x1BFF;
	s21 =	sshll.u32 s5, $0x1;
	s2 =	sadd.s32 s19, s18  }
0x9c: {  	s6 =	simm.s32 $0x0;
	s20 =	sshll.u32 s4, $0x1;
	s4 =	sadd.s32 s21, s2  }
0x9d: {  	[timem:s6], [sflag:s22] =	dma.local [hbm:s4], s20  }
0x9e: {  	_ =	swait.ge [sflag:s22], s20  }
0x9f: {  	s3 =	ssub.s32 $0x0, s20;
	[sflag:s22] =	ssyncset.done $0x0  }
0xa0: {  	[sflag:s22] =	ssyncadd.s32 s3;
	_ =	sdelay $0x1  }
0xa1: {  	s23 =	simm.s32 $0x1B8B  }
0xa2: {  	_ =	swait.ge [sflag:s23], $0x1  }
0xa3: {  	[sflag:s23] =	ssyncset.done $0x0  }
0xa4: {  	s25 =	simm.s32 $0x1B8E;
	s24 =	sld [smem:$0x3FFE];
	[sflag:s23] =	ssyncadd.s32 $0xFFFFFFFF  }
0xa5: {  	s26 =	simm.s32 $execute0_lowered;
	[smem:$0x3FD2] =	sst s25  }
0xa6: {  	s4 =	sshll.u32 s26, $0x1;
	_ =	strace $0x8000004F;
	[dreg:$0x1] =	wrdreg $0xFFFFFFFF  }
0xa7: {  	s28 =	simm.s32 $_size_execute0_lowered;
	s2 =	sadd.s32 s2, s4;
	[dreg:$0x0] =	wrdreg $0x0  }
0xa8: {  	s4 =	sshll.u32 s28, $0x1;
	[dreg:$0x2] =	wrdreg s2  }
0xa9: {  	[dreg:$0x3] =	wrdreg s4  }
0xaa: {  	[dreg:$0x4] =	wrdreg $0xC0  }
0xab: {  	_ =	task [dreg:s6], $0x5FFFF  }
0xac: {  	[dreg:$0x1] =	wrdreg $0xFFFFFFFF  }
0xad: {  	[dreg:$0x0] =	wrdreg $0x60  }
0xae: {  	[dreg:$0x2] =	wrdreg s24  }
0xaf: {  	[dreg:$0x3] =	wrdreg $0x0  }
0xb0: {  	[dreg:$0x4] =	wrdreg $0x9  }
0xb1: {  	_ =	task.clear_ibuf [dreg:s6], $0x5FFFF;
	_ =	strace $0x9000004F  }
0xb2: {  	s29 =	simm.s32 $0x9;
	_ =	strace $0x80000051  }
0xb3: {  	_ =	swait.ge [sflag:s29], $0x1  }
0xb4: {  	[sflag:s29] =	ssyncadd.s32 $0xFFFFFFFF  }
0xb5: {  	_ =	strace $0x90000051  }
0xb6: {  	_ =	sfence  }
0xb7: {  	s30 =	sld [smem:$0x0];
	_ =	sdelay $0x2  }
0xb8: {  	s31 =	sshll.u32 s1, $0xD;
	s1 =	sshrl.u32 s1, $0x2  }
0xb9: {  	s3 =	sand.u32 $0x4000, s31;
	s1 =	sadd.s32 s1, s30  }
0xba: {  	s0 =	sor.u32 s3, s0;
	s1 =	sshll.u32 s1, $0x11  }
0xbb: {  	s0 =	sor.u32 s1, s0  }
0xbc: {  	s0 =	sadd.s32 $0x8F2B, s0  }
0xbd: {  	[sflag:s0] =	ssyncadd.remote.s32 $0x1  }
0xbe: {  	_ =	sfence.sel $0xFFFF  }
0xbf: {  	[dreg:$0x0] =	wrdreg $0xFFFFFFFF;
	(pc) =	sbr.abs _section_cstart, $3  }
0xc0: {  	[dreg:$0x1] =	wrdreg $0xFFFFFFFF  }
0xc1: {  	_ =	task.clear_ibuf [dreg:s6], $0x2FFFF;
	_ =	strace $0x9FFFFFFF  }
0xc2: {  	(tm) =	ssettm $0x7FFFFFFF  }
0xc3: {  	_ =	shalt  }
tec
execute0_lowered:
.L_overlay_start_1:
0x0: {  	(tag) =	ssettag $0x1  }
0x1: {  	s8 =	rddreg [dreg:$0x0]  }
0x2: {  	s2 =	rddreg [dreg:$0x1]  }
0x3: {  	s0 =	rddreg [dreg:$0x2]  }
0x4: {  	s3 =	simm.s32 $0x0;
	s1 =	stileid.u32;
	s7 =	srdreg.scid  }
0x5: {  	s18 =	simm.s32 $0xA000;
	s19 =	simm.s32 $0xA050;
	s20 =	simm.s32 $0x50  }
0x6: {  	s21 =	simm.s32 $0xA0A0;
	s22 =	simm.s32 $0x1;
	s23 =	simm.s32 $0x0  }
0x7: {  	[smem:$0x7FF] =	sst s3;
	s6 =	smul.u32 $0x9C4, s1;
	s4 =	sadd.s32 $0x3F400, s8  }
0x8: {  	s5 =	sadd.s32 $0x2BA00, s8;
	s16 =	sand.u32 $0x1, s7;
	s7 =	sadd.s32 $0x54200, s8  }
0x9: {  	s10 =	smul.u32 $0xA000, s1;
	s12 =	sshll.u32 s1, $0x6;
	_ =	strace $0x80000050  }
0xa: {  	s9 =	ssub.s32 $0x2, s16;
	p0 =	sne.s32 s16, $0x0;
	s15 =	sadd.s32 s6, s8  }
.Ltmp0:
0xb: {  	s6 =	sadd.s32 $0x52E00, s8;
	s8 =	sadd.s32 $0x68200, s8;
	(pc) =	sbr.rel .LBB2_1-.Ltmp0, $4  }
0xc: {  	s11 =	sshrl.u32 s9, $0x1;
	s17 =	sadd.s32 s10, s2;
	s10 =	sshrl.u32 s10, $0x3  }
0xd: {  	s11 =	ssub.s32 s9, s11;
	s9 =	sor.u32 $0x1C02, s12;
	s12 =	sadd.s32 $0x4200, s15  }
0xe: {  	s13 =	sadd.s32 $0xE000, s15;
	s14 =	sadd.s32 $0x17E00, s15;
	s15 =	sadd.s32 $0x21C00, s15  }
0xf: {  	s16 =	sshrl.u32 s17, $0x3;
	s17 =	simm.s32 $0x2;
	s11 =	smax.u32 s11, $0x1  }
.LBB2_7:
0x10: {  	s25 =	sadd.s32 s24, s13;
	[sflag:s17] =	ssyncadd.s32 $0xFFFFEC00  }
0x11: {  	[tilespmem:s18], [sflag:$0x2] =	stream.linear.gather [hbm4b:s25+s3], $0x50, $0x38;
	[tilespmem:$0xB4A0] =	vst v63  }
0x12: {  	_ =	swait.ge [sflag:s17], $0x50  }
0x13: {  	[sflag:s17] =	ssyncset.done $0x0  }
0x14: {  	s31 =	sadd.s32 s24, s12;
	[sflag:s17] =	ssyncadd.s32 $0xFFFFFFB0  }
0x15: {  	[tilespmem:s19], [sflag:$0x2] =	stream.linear.gather [hbm4b:s31+s3], $0x50, $0x38;
	[tilespmem:$0xB4A0] =	vst v63  }
0x16: {  	_ =	swait.ge [sflag:s17], $0x50  }
0x17: {  	[sflag:s17] =	ssyncset.done $0x0  }
0x18: {  	[sflag:s17] =	ssyncadd.s32 $0xFFFFFFB0  }
0x19: {  	[tilespmem:s21], [sflag:$0x1] =	stream.indirect.gather [hbm4b:s5+s20], $0x40, s18, s20, $0xb8;
	[tilespmem:$0xB4A0] =	vst v63  }
0x1a: {  	_ =	swait.ge [sflag:s22], $0x1400  }
0x1b: {  	[sflag:s22] =	ssyncset.done $0x0  }
0x1c: {  	[sflag:s22] =	ssyncadd.s32 $0xFFFFEC00  }
0x1d: {  	[spmem:s2] =	stream.indirect.scatter.add.f32 [tilespmem:s21], [sflag:$0x2], $0x40, s19, s20, $0xb8;
	[tilespmem:$0xB4A0] =	vst v63  }
0x1e: {  	_ =	swait.ge [sflag:s17], $0x1400  }
0x1f: {  	[sflag:s17] =	ssyncset.done $0x0  }
0x20: {  	s24 =	smov.u32 s8;
	[sflag:s17] =	ssyncadd.s32 $0xFFFFEC00  }
.LBB2_8:
0x21: {  	s23 =	sadd.s32 $0x1, s23  }
0x22: {  	p1 =	sne.s32 s23, s11  }
.Ltmp1:
0x23: {  	s24 =	sadd.s32 s24, s10;
	[bflag:$0x0] =	sbarrier.arrive $0xFFFF;
	(pc) =	sbr.rel @!p1 .LBB2_9-.Ltmp1, $4  }
0x24: {  	[hbm:s24], [sflag:s9] =	dma.local [spmem:s16], $0x1400  }
0x25: {  	_ =	swait.ge [sflag:s17], $0x1400  }
0x26: {  	[sflag:s17] =	ssyncset.done $0x0  }
0x27: {  	[sflag:s17] =	ssyncadd.s32 $0xFFFFEC00  }
.LBB2_1:
0x28: {  	[spmem:s16], [sflag:s9] =	dma.local [hbm:s6], $0x1400  }
.Ltmp2:
0x29: {  	_ =	swait.ge [sflag:s17], $0x1400;
	(pc) =	sbr.rel @p0 .LBB2_5-.Ltmp2, $3  }
0x2a: {  	[sflag:s17] =	ssyncset.done $0x0  }
0x2b: {  	[sflag:s17] =	ssyncadd.s32 $0xFFFFEC00  }
0x2c: {  	[bflag:$0x0] =	sbarrier.arrive $0xFFFF;
	_ =	sdelay $0x1  }
0x2d: {  	s24 =	sadd.s32 $0x0, s15  }
0x2e: {  	[tilespmem:s18], [sflag:$0x2] =	stream.linear.gather [hbm4b:s24+s3], $0x50, $0x38;
	[tilespmem:$0xB4A0] =	vst v63  }
0x2f: {  	_ =	swait.ge [sflag:s17], $0x50  }
0x30: {  	[sflag:s17] =	ssyncset.done $0x0  }
0x31: {  	s31 =	sadd.s32 $0x0, s14;
	[sflag:s17] =	ssyncadd.s32 $0xFFFFFFB0  }
0x32: {  	[tilespmem:s19], [sflag:$0x2] =	stream.linear.gather [hbm4b:s31+s3], $0x50, $0x38;
	[tilespmem:$0xB4A0] =	vst v63  }
0x33: {  	_ =	swait.ge [sflag:s17], $0x50  }
0x34: {  	[sflag:s17] =	ssyncset.done $0x0  }
0x35: {  	[sflag:s17] =	ssyncadd.s32 $0xFFFFFFB0  }
0x36: {  	[tilespmem:s21], [sflag:$0x1] =	stream.indirect.gather [hbm4b:s4+s20], $0x40, s18, s20, $0xb8;
	[tilespmem:$0xB4A0] =	vst v63  }
0x37: {  	_ =	swait.ge [sflag:s22], $0x1400  }
0x38: {  	[sflag:s22] =	ssyncset.done $0x0  }
0x39: {  	[sflag:s22] =	ssyncadd.s32 $0xFFFFEC00  }
0x3a: {  	[spmem:s2] =	stream.indirect.scatter.add.f32 [tilespmem:s21], [sflag:$0x2], $0x40, s19, s20, $0xb8;
	[tilespmem:$0xB4A0] =	vst v63  }
0x3b: {  	_ =	swait.ge [sflag:s17], $0x1400  }
0x3c: {  	s25 =	simm.s32 $0x14;
	s24 =	simm.s32 $0xA;
	[sflag:s17] =	ssyncset.done $0x0  }
.LBB2_3:
0x3d: {  	s26 =	sadd.s32 s24, s15  }
0x3e: {  	[sflag:s17] =	ssyncadd.s32 $0xFFFFEC00;
	s28 =	smov.u32 s25;
	s29 =	sadd.s32 $0xA, s25  }
0x3f: {  	[tilespmem:s18], [sflag:$0x2] =	stream.linear.gather [hbm4b:s26+s3], $0x50, $0x38;
	[tilespmem:$0xB4A0] =	vst v63  }
0x40: {  	p1 =	seq.s32 s25, $0x9BA;
	_ =	swait.ge [sflag:s17], $0x50  }
0x41: {  	[sflag:s17] =	ssyncset.done $0x0  }
0x42: {  	s25 =	sadd.s32 s24, s14;
	s24 =	smov.u32 s28;
	[sflag:s17] =	ssyncadd.s32 $0xFFFFFFB0  }
0x43: {  	[tilespmem:s19], [sflag:$0x2] =	stream.linear.gather [hbm4b:s25+s3], $0x50, $0x38;
	[tilespmem:$0xB4A0] =	vst v63  }
0x44: {  	_ =	swait.ge [sflag:s17], $0x50  }
0x45: {  	[sflag:s17] =	ssyncset.done $0x0  }
0x46: {  	[sflag:s17] =	ssyncadd.s32 $0xFFFFFFB0  }
0x47: {  	[tilespmem:s21], [sflag:$0x1] =	stream.indirect.gather [hbm4b:s4+s20], $0x40, s18, s20, $0xb8;
	[tilespmem:$0xB4A0] =	vst v63  }
0x48: {  	_ =	swait.ge [sflag:s22], $0x1400  }
.Ltmp3:
0x49: {  	[sflag:s22] =	ssyncset.done $0x0;
	(pc) =	sbr.rel @!p1 .LBB2_3-.Ltmp3, $4  }
0x4a: {  	[sflag:s22] =	ssyncadd.s32 $0xFFFFEC00  }
0x4b: {  	[spmem:s2] =	stream.indirect.scatter.add.f32 [tilespmem:s21], [sflag:$0x2], $0x40, s19, s20, $0xb8;
	[tilespmem:$0xB4A0] =	vst v63  }
0x4c: {  	_ =	swait.ge [sflag:s17], $0x1400  }
0x4d: {  	s25 =	smov.u32 s29;
	[sflag:s17] =	ssyncset.done $0x0  }
0x4e: {  	s25 =	sadd.s32 s24, s15;
	[sflag:s17] =	ssyncadd.s32 $0xFFFFEC00  }
0x4f: {  	[tilespmem:s18], [sflag:$0x2] =	stream.linear.gather [hbm4b:s25+s3], $0x50, $0x38;
	[tilespmem:$0xB4A0] =	vst v63  }
0x50: {  	_ =	swait.ge [sflag:s17], $0x50  }
0x51: {  	[sflag:s17] =	ssyncset.done $0x0  }
0x52: {  	s31 =	sadd.s32 s24, s14;
	[sflag:s17] =	ssyncadd.s32 $0xFFFFFFB0  }
0x53: {  	[tilespmem:s19], [sflag:$0x2] =	stream.linear.gather [hbm4b:s31+s3], $0x50, $0x38;
	[tilespmem:$0xB4A0] =	vst v63  }
0x54: {  	_ =	swait.ge [sflag:s17], $0x50  }
0x55: {  	[sflag:s17] =	ssyncset.done $0x0  }
0x56: {  	[sflag:s17] =	ssyncadd.s32 $0xFFFFFFB0  }
0x57: {  	[tilespmem:s21], [sflag:$0x1] =	stream.indirect.gather [hbm4b:s4+s20], $0x40, s18, s20, $0xb8;
	[tilespmem:$0xB4A0] =	vst v63  }
0x58: {  	_ =	swait.ge [sflag:s22], $0x1400  }
0x59: {  	[sflag:s22] =	ssyncset.done $0x0  }
.Ltmp4:
0x5a: {  	[sflag:s22] =	ssyncadd.s32 $0xFFFFEC00;
	(pc) =	sbr.rel .LBB2_8-.Ltmp4, $4  }
0x5b: {  	[spmem:s2] =	stream.indirect.scatter.add.f32 [tilespmem:s21], [sflag:$0x2], $0x40, s19, s20, $0xb8;
	[tilespmem:$0xB4A0] =	vst v63  }
0x5c: {  	_ =	swait.ge [sflag:s17], $0x1400  }
0x5d: {  	[sflag:s17] =	ssyncset.done $0x0  }
0x5e: {  	s24 =	smov.u32 s7;
	[sflag:s17] =	ssyncadd.s32 $0xFFFFEC00  }
.LBB2_5:
0x5f: {  	s24 =	sadd.s32 $0x0, s13  }
0x60: {  	[tilespmem:s18], [sflag:$0x2] =	stream.linear.gather [hbm4b:s24+s3], $0x50, $0x38;
	[tilespmem:$0xB4A0] =	vst v63  }
0x61: {  	_ =	swait.ge [sflag:s17], $0x50  }
0x62: {  	[sflag:s17] =	ssyncset.done $0x0  }
0x63: {  	s31 =	sadd.s32 $0x0, s12;
	[sflag:s17] =	ssyncadd.s32 $0xFFFFFFB0  }
0x64: {  	[tilespmem:s19], [sflag:$0x2] =	stream.linear.gather [hbm4b:s31+s3], $0x50, $0x38;
	[tilespmem:$0xB4A0] =	vst v63  }
0x65: {  	_ =	swait.ge [sflag:s17], $0x50  }
0x66: {  	[sflag:s17] =	ssyncset.done $0x0  }
0x67: {  	[sflag:s17] =	ssyncadd.s32 $0xFFFFFFB0  }
0x68: {  	[tilespmem:s21], [sflag:$0x1] =	stream.indirect.gather [hbm4b:s5+s20], $0x40, s18, s20, $0xb8;
	[tilespmem:$0xB4A0] =	vst v63  }
0x69: {  	_ =	swait.ge [sflag:s22], $0x1400  }
0x6a: {  	[sflag:s22] =	ssyncset.done $0x0  }
0x6b: {  	[sflag:s22] =	ssyncadd.s32 $0xFFFFEC00  }
0x6c: {  	[spmem:s2] =	stream.indirect.scatter.add.f32 [tilespmem:s21], [sflag:$0x2], $0x40, s19, s20, $0xb8;
	[tilespmem:$0xB4A0] =	vst v63  }
0x6d: {  	_ =	swait.ge [sflag:s17], $0x1400  }
0x6e: {  	s25 =	simm.s32 $0x14;
	s24 =	simm.s32 $0xA;
	[sflag:s17] =	ssyncset.done $0x0  }
.LBB2_6:
0x6f: {  	s26 =	sadd.s32 s24, s13  }
0x70: {  	[sflag:s17] =	ssyncadd.s32 $0xFFFFEC00;
	s28 =	smov.u32 s25;
	s29 =	sadd.s32 $0xA, s25  }
0x71: {  	[tilespmem:s18], [sflag:$0x2] =	stream.linear.gather [hbm4b:s26+s3], $0x50, $0x38;
	[tilespmem:$0xB4A0] =	vst v63  }
0x72: {  	p1 =	sne.s32 s25, $0x9BA;
	_ =	swait.ge [sflag:s17], $0x50  }
0x73: {  	[sflag:s17] =	ssyncset.done $0x0  }
0x74: {  	s25 =	sadd.s32 s24, s12;
	s24 =	smov.u32 s28;
	[sflag:s17] =	ssyncadd.s32 $0xFFFFFFB0  }
0x75: {  	[tilespmem:s19], [sflag:$0x2] =	stream.linear.gather [hbm4b:s25+s3], $0x50, $0x38;
	[tilespmem:$0xB4A0] =	vst v63  }
0x76: {  	_ =	swait.ge [sflag:s17], $0x50  }
0x77: {  	[sflag:s17] =	ssyncset.done $0x0  }
0x78: {  	[sflag:s17] =	ssyncadd.s32 $0xFFFFFFB0  }
0x79: {  	[tilespmem:s21], [sflag:$0x1] =	stream.indirect.gather [hbm4b:s5+s20], $0x40, s18, s20, $0xb8;
	[tilespmem:$0xB4A0] =	vst v63  }
0x7a: {  	_ =	swait.ge [sflag:s22], $0x1400  }
.Ltmp5:
0x7b: {  	[sflag:s22] =	ssyncset.done $0x0;
	(pc) =	sbr.rel @p1 .LBB2_6-.Ltmp5, $4  }
0x7c: {  	[sflag:s22] =	ssyncadd.s32 $0xFFFFEC00  }
0x7d: {  	[spmem:s2] =	stream.indirect.scatter.add.f32 [tilespmem:s21], [sflag:$0x2], $0x40, s19, s20, $0xb8;
	[tilespmem:$0xB4A0] =	vst v63  }
0x7e: {  	_ =	swait.ge [sflag:s17], $0x1400  }
0x7f: {  	s25 =	smov.u32 s29;
	[sflag:s17] =	ssyncset.done $0x0  }
.Ltmp6:
0x80: {  	_ = 	snop;
	(pc) =	sbr.rel .LBB2_7-.Ltmp6, $1  }
0x81: {  	_ =	sdelay $0x3  }
.LBB2_9:
0x82: {  	_ =	sfence.sel $0x180000  }
0x83: {  	[bflag:$0x0] =	sbarrier.arrive $0xFFFF  }
0x84: {  	p0 =	sne.s32 s1, $0x0;
	_ =	strace $0x90000050  }
0x85: {  	s0 =	sadd.s32 @!p0 $0x100000, s0;
	[bflag:$0x2] =	sbarrier.arrive $0xFFFF  }
0x86: {  	[sflag:s0] =	ssyncadd.tile.s32 @!p0 $0x1;
	_ =	shalt  }
.Lfunc_end2:
_tile_overlayer_lowered:
.L_overlay_start_2:
0x87: {  	(tag) =	ssettag $0x2  }
0x88: {  	s0 =	rddreg [dreg:$0x0];
	s2 =	stileid.u32  }
0x89: {  	s1 =	rddreg [dreg:$0x1];
	p0 =	sne.s32 s2, $0x0  }
0x8a: {  	s3 =	rddreg [dreg:$0x2];
	[bflag:$0x3] =	sbarrier.arrive $0xFFFF;
	s2 =	simm.s32 @!p0 $0x1C02  }
0x8b: {  	[timem:s3], [sflag:s2] =	dma.local @!p0 [hbm:s0], s1  }
0x8c: {  	s0 =	simm.s32 @!p0 $0x2  }
0x8d: {  	_ =	swait.ge @!p0 [sflag:s0], s1  }
0x8e: {  	s1 =	ssub.s32 @!p0 $0x0, s1;
	[sflag:s0] =	ssyncset.done @!p0 $0x0  }
0x8f: {  	[sflag:s0] =	ssyncadd.s32 @!p0 s1  }
0x90: {  	[bflag:$0x3] =	sbarrier.arrive $0xFFFF  }
0x91: {  	_ =	shalt  }

</sc_bundles>
